<compile_context>
chip_gen: v7x
topology: tpu7x:2x2x1
jax: 0.10.2.dev20260603
libtpu: 0.0.44.dev20260713+nightly
codegen_flags: <defaults>
</compile_context>

<pallas_src>
import jax
import jax.numpy as jnp
from jax import lax
from jax.experimental import pallas as pl
from jax.experimental.pallas import tpu as pltpu
from jax.experimental.pallas import tpu_sc as plsc

NSRC = 320000
NOUT = 10000
D = 128
NC = 2
NS = 16
LANES = 16
NG = D // LANES
GPC = NG // NC
RS = 4
ROWS = NOUT // RS
ACC = ROWS * LANES
HROWS = NOUT // 2
HACC = HROWS * LANES
CH = 2048
CB = CH // 128
NBLK = NSRC // 8
NCHUNK = NSRC * LANES // CH
OSTRIDE = NOUT * LANES

_params = pltpu.CompilerParams(needs_layout_passes=False)


def _dma_in(xT, iT, g, b0, xb, ib, sx, si):
    pltpu.async_copy(xT.at[g, pl.ds(b0, CB), :], xb, sx)
    pltpu.async_copy(iT.at[g, pl.ds(b0, CB), :], ib, si)


def _dma_wait(xT, iT, g, b0, xb, ib, sx, si):
    pltpu.make_async_copy(xT.at[g, pl.ds(b0, CB), :], xb, sx).wait()
    pltpu.make_async_copy(iT.at[g, pl.ds(b0, CB), :], ib, si).wait()


def _rmw_body(xT, iT, inpT, omax, omin, omul,
              accmax, accmin, accmul, x0, x1, i0, i1, sx0, si0, sx1, si1):
    c = lax.axis_index("c")
    s = lax.axis_index("s")
    g = c * GPC + s // RS
    r = s % RS
    row0 = r * ROWS
    obase = g * OSTRIDE + row0 * LANES
    lane = lax.iota(jnp.int32, LANES)

    pltpu.sync_copy(inpT.at[pl.ds(obase, ACC)], accmax.at[pl.ds(0, ACC)])
    pltpu.sync_copy(inpT.at[pl.ds(obase, ACC)], accmin.at[pl.ds(0, ACC)])
    pltpu.sync_copy(inpT.at[pl.ds(obase, ACC)], accmul.at[pl.ds(0, ACC)])

    laneadj = lane - row0 * LANES
    dumpvec = jnp.int32(ACC) + lane

    def addr_of(xb, ib, k):
        b = k >> 3
        off = (k & 7) * LANES
        ix = ib[b, pl.ds(off, LANES)]
        v = xb[b, pl.ds(off, LANES)]
        a = (ix << 4) + laneadj
        addr = jnp.minimum(a.astype(jnp.uint32),
                           dumpvec.astype(jnp.uint32)).astype(jnp.int32)
        return v, addr

    def process(xb, ib):
        def chains(v, addr):
            cm = plsc.load_gather(accmax, [addr])
            cn = plsc.load_gather(accmin, [addr])
            cp = plsc.load_gather(accmul, [addr])
            plsc.store_scatter(accmax, [addr], jnp.maximum(cm, v))
            plsc.store_scatter(accmin, [addr], jnp.minimum(cn, v))
            plsc.store_scatter(accmul, [addr], cp * v)

        n = CH // LANES

        def inner(i, carry):
            e0, e1 = carry
            f0 = addr_of(xb, ib, 2 * i + 2)
            f1 = addr_of(xb, ib, 2 * i + 3)
            chains(*e0)
            chains(*e1)
            return (f0, f1)
        e0, e1 = lax.fori_loop(
            0, (n - 2) // 2, inner,
            (addr_of(xb, ib, 0), addr_of(xb, ib, 1)))
        chains(*e0)
        chains(*e1)

    _dma_in(xT, iT, g, 0, x0, i0, sx0, si0)

    def pair(k, carry):
        b0 = 2 * k * CB
        b1 = b0 + CB
        _dma_in(xT, iT, g, b1, x1, i1, sx1, si1)
        _dma_wait(xT, iT, g, b0, x0, i0, sx0, si0)
        process(x0, i0)

        @pl.when(k < NCHUNK // 2 - 1)
        def _():
            _dma_in(xT, iT, g, b1 + CB, x0, i0, sx0, si0)
        _dma_wait(xT, iT, g, b1, x1, i1, sx1, si1)
        process(x1, i1)
        return carry

    lax.fori_loop(0, NCHUNK // 2, pair, 0)

    pltpu.sync_copy(accmax.at[pl.ds(0, ACC)], omax.at[pl.ds(obase, ACC)])
    pltpu.sync_copy(accmin.at[pl.ds(0, ACC)], omin.at[pl.ds(obase, ACC)])
    pltpu.sync_copy(accmul.at[pl.ds(0, ACC)], omul.at[pl.ds(obase, ACC)])


def _sum_body(xT, iT, osum, accsum, x0, x1, i0, i1, sx0, si0, sx1, si1):
    c = lax.axis_index("c")
    s = lax.axis_index("s")
    g = c * GPC + s // RS
    rh = (s // 2) % 2
    sh = s % 2
    row0 = rh * HROWS
    lane = lax.iota(jnp.int32, LANES)

    def zfill(i, carry):
        accsum[pl.ds(i * LANES, LANES)] = jnp.zeros((LANES,), jnp.float32)
        return carry
    lax.fori_loop(0, HACC // LANES + 1, zfill, 0)

    laneadj = lane - row0 * LANES
    dumpvec = jnp.int32(HACC) + lane

    def addr_of(xb, ib, k):
        b = k >> 3
        off = (k & 7) * LANES
        ix = ib[b, pl.ds(off, LANES)]
        v = xb[b, pl.ds(off, LANES)]
        a = (ix << 4) + laneadj
        addr = jnp.minimum(a.astype(jnp.uint32),
                           dumpvec.astype(jnp.uint32)).astype(jnp.int32)
        return v, addr

    def process(xb, ib):
        n = CH // LANES

        def inner(i, carry):
            e0, e1 = carry
            f0 = addr_of(xb, ib, 2 * i + 2)
            f1 = addr_of(xb, ib, 2 * i + 3)
            plsc.addupdate_scatter(accsum, [e0[1]], e0[0])
            plsc.addupdate_scatter(accsum, [e1[1]], e1[0])
            return (f0, f1)
        e0, e1 = lax.fori_loop(
            0, (n - 2) // 2, inner, (addr_of(xb, ib, 0), addr_of(xb, ib, 1)))
        for v, addr in (e0, e1):
            plsc.addupdate_scatter(accsum, [addr], v)

    nh = NCHUNK // 2
    bbase = sh * (NBLK // 2)
    _dma_in(xT, iT, g, bbase, x0, i0, sx0, si0)

    def pair(k, carry):
        b0 = bbase + 2 * k * CB
        b1 = b0 + CB
        _dma_in(xT, iT, g, b1, x1, i1, sx1, si1)
        _dma_wait(xT, iT, g, b0, x0, i0, sx0, si0)
        process(x0, i0)

        @pl.when(k < nh // 2 - 1)
        def _():
            _dma_in(xT, iT, g, b1 + CB, x0, i0, sx0, si0)
        _dma_wait(xT, iT, g, b1, x1, i1, sx1, si1)
        process(x1, i1)
        return carry

    lax.fori_loop(0, nh // 2, pair, 0)

    obase = sh * (NG * OSTRIDE) + g * OSTRIDE + row0 * LANES
    pltpu.sync_copy(accsum.at[pl.ds(0, HACC)], osum.at[pl.ds(obase, HACC)])


def _sc_rmw(xT, iT, inpT):
    mesh = plsc.VectorSubcoreMesh(core_axis_name="c", subcore_axis_name="s")
    f = pl.kernel(
        _rmw_body,
        mesh=mesh,
        compiler_params=_params,
        out_type=[
            jax.ShapeDtypeStruct((NG * OSTRIDE,), jnp.float32),
            jax.ShapeDtypeStruct((NG * OSTRIDE,), jnp.float32),
            jax.ShapeDtypeStruct((NG * OSTRIDE,), jnp.float32),
        ],
        scratch_types=[
            pltpu.VMEM((ACC + LANES,), jnp.float32),
            pltpu.VMEM((ACC + LANES,), jnp.float32),
            pltpu.VMEM((ACC + LANES,), jnp.float32),
            pltpu.VMEM((CB, 128), jnp.float32),
            pltpu.VMEM((CB, 128), jnp.float32),
            pltpu.VMEM((CB, 128), jnp.int32),
            pltpu.VMEM((CB, 128), jnp.int32),
            pltpu.SemaphoreType.DMA,
            pltpu.SemaphoreType.DMA,
            pltpu.SemaphoreType.DMA,
            pltpu.SemaphoreType.DMA,
        ],
    )
    return f(xT, iT, inpT)


def _sc_sum(xT, iT):
    mesh = plsc.VectorSubcoreMesh(core_axis_name="c", subcore_axis_name="s")
    f = pl.kernel(
        _sum_body,
        mesh=mesh,
        compiler_params=_params,
        out_type=jax.ShapeDtypeStruct((2 * NG * OSTRIDE,), jnp.float32),
        scratch_types=[
            pltpu.VMEM((HACC + LANES,), jnp.float32),
            pltpu.VMEM((CB, 128), jnp.float32),
            pltpu.VMEM((CB, 128), jnp.float32),
            pltpu.VMEM((CB, 128), jnp.int32),
            pltpu.VMEM((CB, 128), jnp.int32),
            pltpu.SemaphoreType.DMA,
            pltpu.SemaphoreType.DMA,
            pltpu.SemaphoreType.DMA,
            pltpu.SemaphoreType.DMA,
        ],
    )
    return f(xT, iT)


def kernel(x, index, input):
    xT = (x.reshape(NSRC // 8, 8, NG, LANES).transpose(2, 0, 1, 3)
          .reshape(NG, NSRC // 8, 8 * LANES))
    iT = (index.reshape(NSRC // 8, 8, NG, LANES).transpose(2, 0, 1, 3)
          .reshape(NG, NSRC // 8, 8 * LANES))
    inpT = input.reshape(NOUT, NG, LANES).transpose(1, 0, 2).reshape(-1)
    omax, omin, omul = _sc_rmw(xT, iT, inpT)
    osum = _sc_sum(xT, iT)

    def back(o):
        return o.reshape(NG, NOUT, LANES).transpose(1, 0, 2).reshape(NOUT, D)

    y_max = back(omax)
    y_min = back(omin)
    y_mul = back(omul)
    op = osum.reshape(2, NG, NOUT, LANES)
    y_sum = ((op[0] + op[1]).transpose(1, 0, 2).reshape(NOUT, D) + input)
    return (y_max, y_sum, y_min, y_mul)

# --- scband reference (transcript-rebuilt; emitter-appended) ---
"""Pipeline reference for scband-my-model-61933428409236 (READ-ONLY COPY).

The authoritative reference and input builder live on the scoring server;
editing this copy changes nothing except your own understanding.
"""

import jax, jax.numpy as jnp
import numpy as np

N_SRC = 320000
N_OUT = 10000
D = 128

def setup_inputs(seed: int = 0) -> dict:
    key = jax.random.key(seed)
    k1, k2, k3 = jax.random.split(key, 3)
    x = jax.random.normal(k1, (N_SRC, D), dtype=jnp.float32)
    index = jax.random.randint(k2, (N_SRC, D), 0, N_OUT, dtype=jnp.int32)
    inp = jax.random.normal(k3, (N_OUT, D), dtype=jnp.float32)
    return {"x": x, "index": index, "input": inp}

def reference(x, index, input):
    # torch scatter_reduce(dim=0, include_self=True):
    #   out[index[i, j], j] = reduce(out[index[i, j], j], x[i, j])
    # jnp .at[] scatter with advanced (row, col) indexing reproduces this
    # exactly, including include_self=True semantics (initial value = input).
    col = jnp.broadcast_to(jnp.arange(input.shape[1], dtype=index.dtype)[None, :], index.shape)
    y_max = input.at[index, col].max(x)
    y_sum = input.at[index, col].add(x)
    y_min = input.at[index, col].min(x)
    y_mul = input.at[index, col].multiply(x)
    return (y_max, y_sum, y_min, y_mul)

if __name__ == "__main__":
    import jax
    _d = setup_inputs()
    print(jax.jit(kernel)(*tuple(_d.values())))

</pallas_src>

<mosaic_0001>
#map = affine_map<(d0, d1) -> (0, 0, 0)>
#map1 = affine_map<(d0, d1) -> (0)>
module attributes {stable_mosaic.version = 14 : i64} {
  func.func @_sum_body(%arg0: i32, %arg1: i32, %arg2: memref<8x40000x128xf32, #tpu.memory_space<hbm>>, %arg3: memref<8x40000x128xi32, #tpu.memory_space<hbm>>, %arg4: memref<2560000xf32, #tpu.memory_space<hbm>>, %arg5: memref<80016xf32, #tpu.memory_space<vmem>>, %arg6: memref<16x128xf32, #tpu.memory_space<vmem>>, %arg7: memref<16x128xf32, #tpu.memory_space<vmem>>, %arg8: memref<16x128xi32, #tpu.memory_space<vmem>>, %arg9: memref<16x128xi32, #tpu.memory_space<vmem>>, %arg10: memref<!tpu.dma_semaphore, #tpu.memory_space<semaphore_mem>>, %arg11: memref<!tpu.dma_semaphore, #tpu.memory_space<semaphore_mem>>, %arg12: memref<!tpu.dma_semaphore, #tpu.memory_space<semaphore_mem>>, %arg13: memref<!tpu.dma_semaphore, #tpu.memory_space<semaphore_mem>>) attributes {dimension_semantics = [#tpu.dimension_semantics<core_parallel>, #tpu.dimension_semantics<subcore_parallel>], iteration_bounds = array<i64: 2, 16>, scalar_prefetch = 0 : i64, scratch_operands = 9 : i64, tpu.core_type = #tpu.core_type<sc_vector_subcore>, window_params = [{transform_indices = #map}, {transform_indices = #map}, {transform_indices = #map1}]} {
    %mul3A = arith.constant 4 : i32
    %mul3A_0 = arith.muli %arg0, %mul3A : i32
    %jit3A = arith.constant 4 : i32
    %div3A = arith.divsi %arg1, %jit3A : i32
    %sign3A = arith.constant 0 : i32
    %sign3A_1 = arith.cmpi sgt, %arg1, %sign3A : i32
    %sign3A_2 = arith.extui %sign3A_1 : i1 to i32
    %sign3A_3 = arith.constant 0 : i32
    %sign3A_4 = arith.cmpi slt, %arg1, %sign3A_3 : i32
    %sign3A_5 = arith.extui %sign3A_4 : i1 to i32
    %sign3A_6 = arith.subi %sign3A_2, %sign3A_5 : i32
    %sign3A_7 = arith.constant 0 : i32
    %sign3A_8 = arith.cmpi sgt, %jit3A, %sign3A_7 : i32
    %sign3A_9 = arith.extui %sign3A_8 : i1 to i32
    %sign3A_10 = arith.constant 0 : i32
    %sign3A_11 = arith.cmpi slt, %jit3A, %sign3A_10 : i32
    %sign3A_12 = arith.extui %sign3A_11 : i1 to i32
    %sign3A_13 = arith.subi %sign3A_9, %sign3A_12 : i32
    %ne3A = arith.cmpi ne, %sign3A_6, %sign3A_13 : i32
    %rem3A = arith.remsi %arg1, %jit3A : i32
    %ne3A_14 = arith.constant 0 : i32
    %ne3A_15 = arith.cmpi ne, %rem3A, %ne3A_14 : i32
    %and3A = arith.andi %ne3A, %ne3A_15 : i1
    %sub3A = arith.constant 1 : i32
    %sub3A_16 = arith.subi %div3A, %sub3A : i32
    %select_n3A = arith.select %and3A, %sub3A_16, %div3A : i32
    %add3A = arith.addi %mul3A_0, %select_n3A : i32
    %jit3A_17 = arith.constant 2 : i32
    %div3A_18 = arith.divsi %arg1, %jit3A_17 : i32
    %sign3A_19 = arith.constant 0 : i32
    %sign3A_20 = arith.cmpi sgt, %arg1, %sign3A_19 : i32
    %sign3A_21 = arith.extui %sign3A_20 : i1 to i32
    %sign3A_22 = arith.constant 0 : i32
    %sign3A_23 = arith.cmpi slt, %arg1, %sign3A_22 : i32
    %sign3A_24 = arith.extui %sign3A_23 : i1 to i32
    %sign3A_25 = arith.subi %sign3A_21, %sign3A_24 : i32
    %sign3A_26 = arith.constant 0 : i32
    %sign3A_27 = arith.cmpi sgt, %jit3A_17, %sign3A_26 : i32
    %sign3A_28 = arith.extui %sign3A_27 : i1 to i32
    %sign3A_29 = arith.constant 0 : i32
    %sign3A_30 = arith.cmpi slt, %jit3A_17, %sign3A_29 : i32
    %sign3A_31 = arith.extui %sign3A_30 : i1 to i32
    %sign3A_32 = arith.subi %sign3A_28, %sign3A_31 : i32
    %ne3A_33 = arith.cmpi ne, %sign3A_25, %sign3A_32 : i32
    %rem3A_34 = arith.remsi %arg1, %jit3A_17 : i32
    %ne3A_35 = arith.constant 0 : i32
    %ne3A_36 = arith.cmpi ne, %rem3A_34, %ne3A_35 : i32
    %and3A_37 = arith.andi %ne3A_33, %ne3A_36 : i1
    %sub3A_38 = arith.constant 1 : i32
    %sub3A_39 = arith.subi %div3A_18, %sub3A_38 : i32
    %select_n3A_40 = arith.select %and3A_37, %sub3A_39, %div3A_18 : i32
    %jit3A_41 = arith.constant 2 : i32
    %eq3A = arith.constant 0 : i32
    %eq3A_42 = arith.cmpi eq, %jit3A_41, %eq3A : i32
    %jit3A_43 = arith.constant 1 : i32
    %select_n3A_44 = arith.select %eq3A_42, %jit3A_43, %jit3A_41 : i32
    %rem3A_45 = arith.remsi %select_n3A_40, %select_n3A_44 : i32
    %ne3A_46 = arith.constant 0 : i32
    %ne3A_47 = arith.cmpi ne, %rem3A_45, %ne3A_46 : i32
    %lt3A = arith.constant 0 : i32
    %lt3A_48 = arith.cmpi slt, %rem3A_45, %lt3A : i32
    %lt3A_49 = arith.constant 0 : i32
    %lt3A_50 = arith.cmpi slt, %select_n3A_44, %lt3A_49 : i32
    %ne3A_51 = arith.xori %lt3A_48, %lt3A_50 : i1
    %and3A_52 = arith.andi %ne3A_51, %ne3A_47 : i1
    %add3A_53 = arith.addi %rem3A_45, %select_n3A_44 : i32
    %select_n3A_54 = arith.select %and3A_52, %add3A_53, %rem3A_45 : i32
    %jit3A_55 = arith.constant 2 : i32
    %eq3A_56 = arith.constant 0 : i32
    %eq3A_57 = arith.cmpi eq, %jit3A_55, %eq3A_56 : i32
    %jit3A_58 = arith.constant 1 : i32
    %select_n3A_59 = arith.select %eq3A_57, %jit3A_58, %jit3A_55 : i32
    %rem3A_60 = arith.remsi %arg1, %select_n3A_59 : i32
    %ne3A_61 = arith.constant 0 : i32
    %ne3A_62 = arith.cmpi ne, %rem3A_60, %ne3A_61 : i32
    %lt3A_63 = arith.constant 0 : i32
    %lt3A_64 = arith.cmpi slt, %rem3A_60, %lt3A_63 : i32
    %lt3A_65 = arith.constant 0 : i32
    %lt3A_66 = arith.cmpi slt, %select_n3A_59, %lt3A_65 : i32
    %ne3A_67 = arith.xori %lt3A_64, %lt3A_66 : i1
    %and3A_68 = arith.andi %ne3A_67, %ne3A_62 : i1
    %add3A_69 = arith.addi %rem3A_60, %select_n3A_59 : i32
    %select_n3A_70 = arith.select %and3A_68, %add3A_69, %rem3A_60 : i32
    %mul3A_71 = arith.constant 5000 : i32
    %mul3A_72 = arith.muli %select_n3A_54, %mul3A_71 : i32
    %iota3A = tpu.iota {dimensions = array<i32: 0>} : vector<16xi32>
    %scan3A = arith.constant 0 : i32
    %scan3A_73 = arith.constant 0 : i32
    %scan3A_74 = arith.constant 5001 : i32
    %scan3A_75 = arith.addi %scan3A_73, %scan3A_74 : i32
    %scan3A_76 = arith.constant 1 : i32
    scf.for %scan3A_112 = %scan3A_73 to %scan3A_75 step %scan3A_76  : i32 {
      %broadcast_in_dim3A = arith.constant 0.000000e+00 : f32
      %broadcast_in_dim3A_113 = vector.broadcast %broadcast_in_dim3A : f32 to vector<16xf32>
      %mul3A_114 = arith.constant 16 : i32
      %mul3A_115 = arith.muli %scan3A_112, %mul3A_114 : i32
      %swap3A = arith.index_cast %mul3A_115 : i32 to index
      %swap3A_116 = tpu.vector_load %arg5[%swap3A] {strides = array<i32>} : memref<80016xf32, #tpu.memory_space<vmem>>, vector<16xf32>,
      tpu.vector_store %arg5[%swap3A], %broadcast_in_dim3A_113 {strides = array<i32>} : memref<80016xf32, #tpu.memory_space<vmem>>, vector<16xf32>,
    }
    %scan3A_77 = arith.constant 5001 : i32
    %mul3A_78 = arith.constant 16 : i32
    %mul3A_79 = arith.muli %mul3A_72, %mul3A_78 : i32
    %sub3A_80 = vector.broadcast %mul3A_79 : i32 to vector<16xi32>
    %sub3A_81 = arith.subi %iota3A, %sub3A_80 : vector<16xi32>
    %add3A_82 = arith.constant 80000 : i32
    %add3A_83 = vector.broadcast %add3A_82 : i32 to vector<16xi32>
    %add3A_84 = arith.addi %add3A_83, %iota3A : vector<16xi32>
    %mul3A_85 = arith.constant 20000 : i32
    %mul3A_86 = arith.muli %select_n3A_70, %mul3A_85 : i32
    %dma_start3A = arith.constant 0 : i32
    %dma_start3A_87 = tpu.memref_slice %arg2[%add3A, %mul3A_86, %dma_start3A] : memref<8x40000x128xf32, #tpu.memory_space<hbm>> -> memref<1x16x128xf32, #tpu.memory_space<hbm>>
    %dma_start3A_88 = tpu.memref_squeeze %dma_start3A_87 : memref<1x16x128xf32, #tpu.memory_space<hbm>> -> memref<16x128xf32, #tpu.memory_space<hbm>>
    %dma_start3A_89 = arith.constant 0 : i32
    %dma_start3A_90 = tpu.memref_slice %arg2[%add3A, %mul3A_86, %dma_start3A_89] : memref<8x40000x128xf32, #tpu.memory_space<hbm>> -> memref<1x16x128xf32, #tpu.memory_space<hbm>>
    %dma_start3A_91 = tpu.memref_squeeze %dma_start3A_90 : memref<1x16x128xf32, #tpu.memory_space<hbm>> -> memref<16x128xf32, #tpu.memory_space<hbm>>
    tpu.enqueue_dma source(%dma_start3A_91 : memref<16x128xf32, #tpu.memory_space<hbm>>) target(%arg6 : memref<16x128xf32, #tpu.memory_space<vmem>>) target_semaphore(%arg10 : memref<!tpu.dma_semaphore, #tpu.memory_space<semaphore_mem>>)
    %dma_start3A_92 = arith.constant 0 : i32
    %dma_start3A_93 = tpu.memref_slice %arg3[%add3A, %mul3A_86, %dma_start3A_92] : memref<8x40000x128xi32, #tpu.memory_space<hbm>> -> memref<1x16x128xi32, #tpu.memory_space<hbm>>
    %dma_start3A_94 = tpu.memref_squeeze %dma_start3A_93 : memref<1x16x128xi32, #tpu.memory_space<hbm>> -> memref<16x128xi32, #tpu.memory_space<hbm>>
    %dma_start3A_95 = arith.constant 0 : i32
    %dma_start3A_96 = tpu.memref_slice %arg3[%add3A, %mul3A_86, %dma_start3A_95] : memref<8x40000x128xi32, #tpu.memory_space<hbm>> -> memref<1x16x128xi32, #tpu.memory_space<hbm>>
    %dma_start3A_97 = tpu.memref_squeeze %dma_start3A_96 : memref<1x16x128xi32, #tpu.memory_space<hbm>> -> memref<16x128xi32, #tpu.memory_space<hbm>>
    tpu.enqueue_dma source(%dma_start3A_97 : memref<16x128xi32, #tpu.memory_space<hbm>>) target(%arg8 : memref<16x128xi32, #tpu.memory_space<vmem>>) target_semaphore(%arg11 : memref<!tpu.dma_semaphore, #tpu.memory_space<semaphore_mem>>)
    %scan3A_98 = arith.constant 0 : i32
    %scan3A_99 = arith.constant 0 : i32
    %scan3A_100 = arith.constant 625 : i32
    %scan3A_101 = arith.addi %scan3A_99, %scan3A_100 : i32
    %scan3A_102 = arith.constant 1 : i32
    scf.for %scan3A_112 = %scan3A_99 to %scan3A_101 step %scan3A_102  : i32 {
      %mul3A_113 = arith.constant 2 : i32
      %mul3A_114 = arith.muli %mul3A_113, %scan3A_112 : i32
      %mul3A_115 = arith.constant 16 : i32
      %mul3A_116 = arith.muli %mul3A_114, %mul3A_115 : i32
      %add3A_117 = arith.addi %mul3A_86, %mul3A_116 : i32
      %add3A_118 = arith.constant 16 : i32
      %add3A_119 = arith.addi %add3A_117, %add3A_118 : i32
      %dma_start3A_120 = arith.constant 0 : i32
      %dma_start3A_121 = tpu.memref_slice %arg2[%add3A, %add3A_119, %dma_start3A_120] : memref<8x40000x128xf32, #tpu.memory_space<hbm>> -> memref<1x16x128xf32, #tpu.memory_space<hbm>>
      %dma_start3A_122 = tpu.memref_squeeze %dma_start3A_121 : memref<1x16x128xf32, #tpu.memory_space<hbm>> -> memref<16x128xf32, #tpu.memory_space<hbm>>
      %dma_start3A_123 = arith.constant 0 : i32
      %dma_start3A_124 = tpu.memref_slice %arg2[%add3A, %add3A_119, %dma_start3A_123] : memref<8x40000x128xf32, #tpu.memory_space<hbm>> -> memref<1x16x128xf32, #tpu.memory_space<hbm>>
      %dma_start3A_125 = tpu.memref_squeeze %dma_start3A_124 : memref<1x16x128xf32, #tpu.memory_space<hbm>> -> memref<16x128xf32, #tpu.memory_space<hbm>>
      tpu.enqueue_dma source(%dma_start3A_125 : memref<16x128xf32, #tpu.memory_space<hbm>>) target(%arg7 : memref<16x128xf32, #tpu.memory_space<vmem>>) target_semaphore(%arg12 : memref<!tpu.dma_semaphore, #tpu.memory_space<semaphore_mem>>)
      %dma_start3A_126 = arith.constant 0 : i32
      %dma_start3A_127 = tpu.memref_slice %arg3[%add3A, %add3A_119, %dma_start3A_126] : memref<8x40000x128xi32, #tpu.memory_space<hbm>> -> memref<1x16x128xi32, #tpu.memory_space<hbm>>
      %dma_start3A_128 = tpu.memref_squeeze %dma_start3A_127 : memref<1x16x128xi32, #tpu.memory_space<hbm>> -> memref<16x128xi32, #tpu.memory_space<hbm>>
      %dma_start3A_129 = arith.constant 0 : i32
      %dma_start3A_130 = tpu.memref_slice %arg3[%add3A, %add3A_119, %dma_start3A_129] : memref<8x40000x128xi32, #tpu.memory_space<hbm>> -> memref<1x16x128xi32, #tpu.memory_space<hbm>>
      %dma_start3A_131 = tpu.memref_squeeze %dma_start3A_130 : memref<1x16x128xi32, #tpu.memory_space<hbm>> -> memref<16x128xi32, #tpu.memory_space<hbm>>
      tpu.enqueue_dma source(%dma_start3A_131 : memref<16x128xi32, #tpu.memory_space<hbm>>) target(%arg9 : memref<16x128xi32, #tpu.memory_space<vmem>>) target_semaphore(%arg13 : memref<!tpu.dma_semaphore, #tpu.memory_space<semaphore_mem>>)
      %dma_wait3A = arith.constant 0 : i32
      %dma_wait3A_132 = tpu.memref_slice %arg2[%add3A, %add3A_117, %dma_wait3A] : memref<8x40000x128xf32, #tpu.memory_space<hbm>> -> memref<1x16x128xf32, #tpu.memory_space<hbm>>
      %dma_wait3A_133 = tpu.memref_squeeze %dma_wait3A_132 : memref<1x16x128xf32, #tpu.memory_space<hbm>> -> memref<16x128xf32, #tpu.memory_space<hbm>>
      %dma_wait3A_134 = arith.constant 0 : i32
      %dma_wait3A_135 = tpu.memref_slice %arg2[%add3A, %add3A_117, %dma_wait3A_134] : memref<8x40000x128xf32, #tpu.memory_space<hbm>> -> memref<1x16x128xf32, #tpu.memory_space<hbm>>
      %dma_wait3A_136 = tpu.memref_squeeze %dma_wait3A_135 : memref<1x16x128xf32, #tpu.memory_space<hbm>> -> memref<16x128xf32, #tpu.memory_space<hbm>>
      tpu.wait_dma2 semaphore(%arg10 : memref<!tpu.dma_semaphore, #tpu.memory_space<semaphore_mem>>) src(%dma_wait3A_136 : memref<16x128xf32, #tpu.memory_space<hbm>>) dst(%arg6 : memref<16x128xf32, #tpu.memory_space<vmem>>)
      %dma_wait3A_137 = arith.constant 0 : i32
      %dma_wait3A_138 = tpu.memref_slice %arg3[%add3A, %add3A_117, %dma_wait3A_137] : memref<8x40000x128xi32, #tpu.memory_space<hbm>> -> memref<1x16x128xi32, #tpu.memory_space<hbm>>
      %dma_wait3A_139 = tpu.memref_squeeze %dma_wait3A_138 : memref<1x16x128xi32, #tpu.memory_space<hbm>> -> memref<16x128xi32, #tpu.memory_space<hbm>>
      %dma_wait3A_140 = arith.constant 0 : i32
      %dma_wait3A_141 = tpu.memref_slice %arg3[%add3A, %add3A_117, %dma_wait3A_140] : memref<8x40000x128xi32, #tpu.memory_space<hbm>> -> memref<1x16x128xi32, #tpu.memory_space<hbm>>
      %dma_wait3A_142 = tpu.memref_squeeze %dma_wait3A_141 : memref<1x16x128xi32, #tpu.memory_space<hbm>> -> memref<16x128xi32, #tpu.memory_space<hbm>>
      tpu.wait_dma2 semaphore(%arg11 : memref<!tpu.dma_semaphore, #tpu.memory_space<semaphore_mem>>) src(%dma_wait3A_142 : memref<16x128xi32, #tpu.memory_space<hbm>>) dst(%arg8 : memref<16x128xi32, #tpu.memory_space<vmem>>)
      %get3A = arith.constant 0 : i32
      %get3A_143 = arith.index_cast %get3A : i32 to index
      %get3A_144 = arith.constant 0 : index
      %get3A_145 = tpu.vector_load %arg8[%get3A_143, %get3A_144] {strides = array<i32>} : memref<16x128xi32, #tpu.memory_space<vmem>>, vector<16xi32>,
      %get3A_146 = arith.constant 0 : i32
      %get3A_147 = arith.index_cast %get3A_146 : i32 to index
      %get3A_148 = arith.constant 0 : index
      %get3A_149 = tpu.vector_load %arg6[%get3A_147, %get3A_148] {strides = array<i32>} : memref<16x128xf32, #tpu.memory_space<vmem>>, vector<16xf32>,
      %shift_left3A = arith.constant 4 : i32
      %shift_left3A_150 = vector.broadcast %shift_left3A : i32 to vector<16xi32>
      %shift_left3A_151 = arith.shli %get3A_145, %shift_left3A_150 : vector<16xi32>
      %add3A_152 = arith.addi %shift_left3A_151, %sub3A_81 : vector<16xi32>
      %min3A = arith.minui %add3A_152, %add3A_84 : vector<16xi32>
      %get3A_153 = arith.constant 0 : i32
      %get3A_154 = arith.index_cast %get3A_153 : i32 to index
      %get3A_155 = arith.constant 16 : index
      %get3A_156 = tpu.vector_load %arg8[%get3A_154, %get3A_155] {strides = array<i32>} : memref<16x128xi32, #tpu.memory_space<vmem>>, vector<16xi32>,
      %get3A_157 = arith.constant 0 : i32
      %get3A_158 = arith.index_cast %get3A_157 : i32 to index
      %get3A_159 = arith.constant 16 : index
      %get3A_160 = tpu.vector_load %arg6[%get3A_158, %get3A_159] {strides = array<i32>} : memref<16x128xf32, #tpu.memory_space<vmem>>, vector<16xf32>,
      %shift_left3A_161 = arith.constant 4 : i32
      %shift_left3A_162 = vector.broadcast %shift_left3A_161 : i32 to vector<16xi32>
      %shift_left3A_163 = arith.shli %get3A_156, %shift_left3A_162 : vector<16xi32>
      %add3A_164 = arith.addi %shift_left3A_163, %sub3A_81 : vector<16xi32>
      %min3A_165 = arith.minui %add3A_164, %add3A_84 : vector<16xi32>
      %scan3A_166 = arith.constant 0 : i32
      %scan3A_167 = arith.constant 63 : i32
      %scan3A_168 = arith.addi %scan3A_166, %scan3A_167 : i32
      %scan3A_169 = arith.constant 1 : i32
      %scan3A_170:4 = scf.for %scan3A_219 = %scan3A_166 to %scan3A_168 step %scan3A_169 iter_args(%scan3A_220 = %get3A_149, %scan3A_221 = %min3A, %scan3A_222 = %get3A_160, %scan3A_223 = %min3A_165) -> (vector<16xf32>, vector<16xi32>, vector<16xf32>, vector<16xi32>)  : i32 {
        %mul3A_224 = arith.constant 2 : i32
        %mul3A_225 = arith.muli %mul3A_224, %scan3A_219 : i32
        %add3A_226 = arith.constant 2 : i32
        %add3A_227 = arith.addi %mul3A_225, %add3A_226 : i32
        %shift_right_arithmetic3A = arith.constant 3 : i32
        %shift_right_arithmetic3A_228 = arith.shrsi %add3A_227, %shift_right_arithmetic3A : i32
        %and3A_229 = arith.constant 7 : i32
        %and3A_230 = arith.andi %add3A_227, %and3A_229 : i32
        %mul3A_231 = arith.constant 16 : i32
        %mul3A_232 = arith.muli %and3A_230, %mul3A_231 : i32
        %get3A_233 = arith.index_cast %shift_right_arithmetic3A_228 : i32 to index
        %get3A_234 = arith.index_cast %mul3A_232 : i32 to index
        %get3A_235 = tpu.vector_load %arg8[%get3A_233, %get3A_234] {strides = array<i32>} : memref<16x128xi32, #tpu.memory_space<vmem>>, vector<16xi32>,
        %get3A_236 = arith.index_cast %shift_right_arithmetic3A_228 : i32 to index
        %get3A_237 = arith.index_cast %mul3A_232 : i32 to index
        %get3A_238 = tpu.vector_load %arg6[%get3A_236, %get3A_237] {strides = array<i32>} : memref<16x128xf32, #tpu.memory_space<vmem>>, vector<16xf32>,
        %shift_left3A_239 = arith.constant 4 : i32
        %shift_left3A_240 = vector.broadcast %shift_left3A_239 : i32 to vector<16xi32>
        %shift_left3A_241 = arith.shli %get3A_235, %shift_left3A_240 : vector<16xi32>
        %add3A_242 = arith.addi %shift_left3A_241, %sub3A_81 : vector<16xi32>
        %min3A_243 = arith.minui %add3A_242, %add3A_84 : vector<16xi32>
        %mul3A_244 = arith.constant 2 : i32
        %mul3A_245 = arith.muli %mul3A_244, %scan3A_219 : i32
        %add3A_246 = arith.constant 3 : i32
        %add3A_247 = arith.addi %mul3A_245, %add3A_246 : i32
        %shift_right_arithmetic3A_248 = arith.constant 3 : i32
        %shift_right_arithmetic3A_249 = arith.shrsi %add3A_247, %shift_right_arithmetic3A_248 : i32
        %and3A_250 = arith.constant 7 : i32
        %and3A_251 = arith.andi %add3A_247, %and3A_250 : i32
        %mul3A_252 = arith.constant 16 : i32
        %mul3A_253 = arith.muli %and3A_251, %mul3A_252 : i32
        %get3A_254 = arith.index_cast %shift_right_arithmetic3A_249 : i32 to index
        %get3A_255 = arith.index_cast %mul3A_253 : i32 to index
        %get3A_256 = tpu.vector_load %arg8[%get3A_254, %get3A_255] {strides = array<i32>} : memref<16x128xi32, #tpu.memory_space<vmem>>, vector<16xi32>,
        %get3A_257 = arith.index_cast %shift_right_arithmetic3A_249 : i32 to index
        %get3A_258 = arith.index_cast %mul3A_253 : i32 to index
        %get3A_259 = tpu.vector_load %arg6[%get3A_257, %get3A_258] {strides = array<i32>} : memref<16x128xf32, #tpu.memory_space<vmem>>, vector<16xf32>,
        %shift_left3A_260 = arith.constant 4 : i32
        %shift_left3A_261 = vector.broadcast %shift_left3A_260 : i32 to vector<16xi32>
        %shift_left3A_262 = arith.shli %get3A_256, %shift_left3A_261 : vector<16xi32>
        %add3A_263 = arith.addi %shift_left3A_262, %sub3A_81 : vector<16xi32>
        %min3A_264 = arith.minui %add3A_263, %add3A_84 : vector<16xi32>
        tpu.vector_store_idx %arg5[%scan3A_221], %scan3A_220 {add = true} : memref<80016xf32, #tpu.memory_space<vmem>>[vector<16xi32>], vector<16xf32>,
        tpu.vector_store_idx %arg5[%scan3A_223], %scan3A_222 {add = true} : memref<80016xf32, #tpu.memory_space<vmem>>[vector<16xi32>], vector<16xf32>,
        scf.yield %get3A_238, %min3A_243, %get3A_259, %min3A_264 : vector<16xf32>, vector<16xi32>, vector<16xf32>, vector<16xi32>
      }
      %scan3A_171 = arith.constant 63 : i32
      tpu.vector_store_idx %arg5[%scan3A_170#1], %scan3A_170#0 {add = true} : memref<80016xf32, #tpu.memory_space<vmem>>[vector<16xi32>], vector<16xf32>,
      tpu.vector_store_idx %arg5[%scan3A_170#3], %scan3A_170#2 {add = true} : memref<80016xf32, #tpu.memory_space<vmem>>[vector<16xi32>], vector<16xf32>,
      %lt3A_172 = arith.constant 624 : i32
      %lt3A_173 = arith.cmpi slt, %scan3A_112, %lt3A_172 : i32
      %convert_element_type3A = arith.extui %lt3A_173 : i1 to i32
      %cond3A = arith.constant 0 : i32
      %cond3A_174 = arith.cmpi ne, %convert_element_type3A, %cond3A : i32
      scf.if %cond3A_174 {
        %add3A_219 = arith.constant 16 : i32
        %add3A_220 = arith.addi %add3A_119, %add3A_219 : i32
        %dma_start3A_221 = arith.constant 0 : i32
        %dma_start3A_222 = tpu.memref_slice %arg2[%add3A, %add3A_220, %dma_start3A_221] : memref<8x40000x128xf32, #tpu.memory_space<hbm>> -> memref<1x16x128xf32, #tpu.memory_space<hbm>>
        %dma_start3A_223 = tpu.memref_squeeze %dma_start3A_222 : memref<1x16x128xf32, #tpu.memory_space<hbm>> -> memref<16x128xf32, #tpu.memory_space<hbm>>
        %dma_start3A_224 = arith.constant 0 : i32
        %dma_start3A_225 = tpu.memref_slice %arg2[%add3A, %add3A_220, %dma_start3A_224] : memref<8x40000x128xf32, #tpu.memory_space<hbm>> -> memref<1x16x128xf32, #tpu.memory_space<hbm>>
        %dma_start3A_226 = tpu.memref_squeeze %dma_start3A_225 : memref<1x16x128xf32, #tpu.memory_space<hbm>> -> memref<16x128xf32, #tpu.memory_space<hbm>>
        tpu.enqueue_dma source(%dma_start3A_226 : memref<16x128xf32, #tpu.memory_space<hbm>>) target(%arg6 : memref<16x128xf32, #tpu.memory_space<vmem>>) target_semaphore(%arg10 : memref<!tpu.dma_semaphore, #tpu.memory_space<semaphore_mem>>)
        %dma_start3A_227 = arith.constant 0 : i32
        %dma_start3A_228 = tpu.memref_slice %arg3[%add3A, %add3A_220, %dma_start3A_227] : memref<8x40000x128xi32, #tpu.memory_space<hbm>> -> memref<1x16x128xi32, #tpu.memory_space<hbm>>
        %dma_start3A_229 = tpu.memref_squeeze %dma_start3A_228 : memref<1x16x128xi32, #tpu.memory_space<hbm>> -> memref<16x128xi32, #tpu.memory_space<hbm>>
        %dma_start3A_230 = arith.constant 0 : i32
        %dma_start3A_231 = tpu.memref_slice %arg3[%add3A, %add3A_220, %dma_start3A_230] : memref<8x40000x128xi32, #tpu.memory_space<hbm>> -> memref<1x16x128xi32, #tpu.memory_space<hbm>>
        %dma_start3A_232 = tpu.memref_squeeze %dma_start3A_231 : memref<1x16x128xi32, #tpu.memory_space<hbm>> -> memref<16x128xi32, #tpu.memory_space<hbm>>
        tpu.enqueue_dma source(%dma_start3A_232 : memref<16x128xi32, #tpu.memory_space<hbm>>) target(%arg8 : memref<16x128xi32, #tpu.memory_space<vmem>>) target_semaphore(%arg11 : memref<!tpu.dma_semaphore, #tpu.memory_space<semaphore_mem>>)
      } else {
      }
      %dma_wait3A_175 = arith.constant 0 : i32
      %dma_wait3A_176 = tpu.memref_slice %arg2[%add3A, %add3A_119, %dma_wait3A_175] : memref<8x40000x128xf32, #tpu.memory_space<hbm>> -> memref<1x16x128xf32, #tpu.memory_space<hbm>>
      %dma_wait3A_177 = tpu.memref_squeeze %dma_wait3A_176 : memref<1x16x128xf32, #tpu.memory_space<hbm>> -> memref<16x128xf32, #tpu.memory_space<hbm>>
      %dma_wait3A_178 = arith.constant 0 : i32
      %dma_wait3A_179 = tpu.memref_slice %arg2[%add3A, %add3A_119, %dma_wait3A_178] : memref<8x40000x128xf32, #tpu.memory_space<hbm>> -> memref<1x16x128xf32, #tpu.memory_space<hbm>>
      %dma_wait3A_180 = tpu.memref_squeeze %dma_wait3A_179 : memref<1x16x128xf32, #tpu.memory_space<hbm>> -> memref<16x128xf32, #tpu.memory_space<hbm>>
      tpu.wait_dma2 semaphore(%arg12 : memref<!tpu.dma_semaphore, #tpu.memory_space<semaphore_mem>>) src(%dma_wait3A_180 : memref<16x128xf32, #tpu.memory_space<hbm>>) dst(%arg7 : memref<16x128xf32, #tpu.memory_space<vmem>>)
      %dma_wait3A_181 = arith.constant 0 : i32
      %dma_wait3A_182 = tpu.memref_slice %arg3[%add3A, %add3A_119, %dma_wait3A_181] : memref<8x40000x128xi32, #tpu.memory_space<hbm>> -> memref<1x16x128xi32, #tpu.memory_space<hbm>>
      %dma_wait3A_183 = tpu.memref_squeeze %dma_wait3A_182 : memref<1x16x128xi32, #tpu.memory_space<hbm>> -> memref<16x128xi32, #tpu.memory_space<hbm>>
      %dma_wait3A_184 = arith.constant 0 : i32
      %dma_wait3A_185 = tpu.memref_slice %arg3[%add3A, %add3A_119, %dma_wait3A_184] : memref<8x40000x128xi32, #tpu.memory_space<hbm>> -> memref<1x16x128xi32, #tpu.memory_space<hbm>>
      %dma_wait3A_186 = tpu.memref_squeeze %dma_wait3A_185 : memref<1x16x128xi32, #tpu.memory_space<hbm>> -> memref<16x128xi32, #tpu.memory_space<hbm>>
      tpu.wait_dma2 semaphore(%arg13 : memref<!tpu.dma_semaphore, #tpu.memory_space<semaphore_mem>>) src(%dma_wait3A_186 : memref<16x128xi32, #tpu.memory_space<hbm>>) dst(%arg9 : memref<16x128xi32, #tpu.memory_space<vmem>>)
      %get3A_187 = arith.constant 0 : i32
      %get3A_188 = arith.index_cast %get3A_187 : i32 to index
      %get3A_189 = arith.constant 0 : index
      %get3A_190 = tpu.vector_load %arg9[%get3A_188, %get3A_189] {strides = array<i32>} : memref<16x128xi32, #tpu.memory_space<vmem>>, vector<16xi32>,
      %get3A_191 = arith.constant 0 : i32
      %get3A_192 = arith.index_cast %get3A_191 : i32 to index
      %get3A_193 = arith.constant 0 : index
      %get3A_194 = tpu.vector_load %arg7[%get3A_192, %get3A_193] {strides = array<i32>} : memref<16x128xf32, #tpu.memory_space<vmem>>, vector<16xf32>,
      %shift_left3A_195 = arith.constant 4 : i32
      %shift_left3A_196 = vector.broadcast %shift_left3A_195 : i32 to vector<16xi32>
      %shift_left3A_197 = arith.shli %get3A_190, %shift_left3A_196 : vector<16xi32>
      %add3A_198 = arith.addi %shift_left3A_197, %sub3A_81 : vector<16xi32>
      %min3A_199 = arith.minui %add3A_198, %add3A_84 : vector<16xi32>
      %get3A_200 = arith.constant 0 : i32
      %get3A_201 = arith.index_cast %get3A_200 : i32 to index
      %get3A_202 = arith.constant 16 : index
      %get3A_203 = tpu.vector_load %arg9[%get3A_201, %get3A_202] {strides = array<i32>} : memref<16x128xi32, #tpu.memory_space<vmem>>, vector<16xi32>,
      %get3A_204 = arith.constant 0 : i32
      %get3A_205 = arith.index_cast %get3A_204 : i32 to index
      %get3A_206 = arith.constant 16 : index
      %get3A_207 = tpu.vector_load %arg7[%get3A_205, %get3A_206] {strides = array<i32>} : memref<16x128xf32, #tpu.memory_space<vmem>>, vector<16xf32>,
      %shift_left3A_208 = arith.constant 4 : i32
      %shift_left3A_209 = vector.broadcast %shift_left3A_208 : i32 to vector<16xi32>
      %shift_left3A_210 = arith.shli %get3A_203, %shift_left3A_209 : vector<16xi32>
      %add3A_211 = arith.addi %shift_left3A_210, %sub3A_81 : vector<16xi32>
      %min3A_212 = arith.minui %add3A_211, %add3A_84 : vector<16xi32>
      %scan3A_213 = arith.constant 0 : i32
      %scan3A_214 = arith.constant 63 : i32
      %scan3A_215 = arith.addi %scan3A_213, %scan3A_214 : i32
      %scan3A_216 = arith.constant 1 : i32
      %scan3A_217:4 = scf.for %scan3A_219 = %scan3A_213 to %scan3A_215 step %scan3A_216 iter_args(%scan3A_220 = %get3A_194, %scan3A_221 = %min3A_199, %scan3A_222 = %get3A_207, %scan3A_223 = %min3A_212) -> (vector<16xf32>, vector<16xi32>, vector<16xf32>, vector<16xi32>)  : i32 {
        %mul3A_224 = arith.constant 2 : i32
        %mul3A_225 = arith.muli %mul3A_224, %scan3A_219 : i32
        %add3A_226 = arith.constant 2 : i32
        %add3A_227 = arith.addi %mul3A_225, %add3A_226 : i32
        %shift_right_arithmetic3A = arith.constant 3 : i32
        %shift_right_arithmetic3A_228 = arith.shrsi %add3A_227, %shift_right_arithmetic3A : i32
        %and3A_229 = arith.constant 7 : i32
        %and3A_230 = arith.andi %add3A_227, %and3A_229 : i32
        %mul3A_231 = arith.constant 16 : i32
        %mul3A_232 = arith.muli %and3A_230, %mul3A_231 : i32
        %get3A_233 = arith.index_cast %shift_right_arithmetic3A_228 : i32 to index
        %get3A_234 = arith.index_cast %mul3A_232 : i32 to index
        %get3A_235 = tpu.vector_load %arg9[%get3A_233, %get3A_234] {strides = array<i32>} : memref<16x128xi32, #tpu.memory_space<vmem>>, vector<16xi32>,
        %get3A_236 = arith.index_cast %shift_right_arithmetic3A_228 : i32 to index
        %get3A_237 = arith.index_cast %mul3A_232 : i32 to index
        %get3A_238 = tpu.vector_load %arg7[%get3A_236, %get3A_237] {strides = array<i32>} : memref<16x128xf32, #tpu.memory_space<vmem>>, vector<16xf32>,
        %shift_left3A_239 = arith.constant 4 : i32
        %shift_left3A_240 = vector.broadcast %shift_left3A_239 : i32 to vector<16xi32>
        %shift_left3A_241 = arith.shli %get3A_235, %shift_left3A_240 : vector<16xi32>
        %add3A_242 = arith.addi %shift_left3A_241, %sub3A_81 : vector<16xi32>
        %min3A_243 = arith.minui %add3A_242, %add3A_84 : vector<16xi32>
        %mul3A_244 = arith.constant 2 : i32
        %mul3A_245 = arith.muli %mul3A_244, %scan3A_219 : i32
        %add3A_246 = arith.constant 3 : i32
        %add3A_247 = arith.addi %mul3A_245, %add3A_246 : i32
        %shift_right_arithmetic3A_248 = arith.constant 3 : i32
        %shift_right_arithmetic3A_249 = arith.shrsi %add3A_247, %shift_right_arithmetic3A_248 : i32
        %and3A_250 = arith.constant 7 : i32
        %and3A_251 = arith.andi %add3A_247, %and3A_250 : i32
        %mul3A_252 = arith.constant 16 : i32
        %mul3A_253 = arith.muli %and3A_251, %mul3A_252 : i32
        %get3A_254 = arith.index_cast %shift_right_arithmetic3A_249 : i32 to index
        %get3A_255 = arith.index_cast %mul3A_253 : i32 to index
        %get3A_256 = tpu.vector_load %arg9[%get3A_254, %get3A_255] {strides = array<i32>} : memref<16x128xi32, #tpu.memory_space<vmem>>, vector<16xi32>,
        %get3A_257 = arith.index_cast %shift_right_arithmetic3A_249 : i32 to index
        %get3A_258 = arith.index_cast %mul3A_253 : i32 to index
        %get3A_259 = tpu.vector_load %arg7[%get3A_257, %get3A_258] {strides = array<i32>} : memref<16x128xf32, #tpu.memory_space<vmem>>, vector<16xf32>,
        %shift_left3A_260 = arith.constant 4 : i32
        %shift_left3A_261 = vector.broadcast %shift_left3A_260 : i32 to vector<16xi32>
        %shift_left3A_262 = arith.shli %get3A_256, %shift_left3A_261 : vector<16xi32>
        %add3A_263 = arith.addi %shift_left3A_262, %sub3A_81 : vector<16xi32>
        %min3A_264 = arith.minui %add3A_263, %add3A_84 : vector<16xi32>
        tpu.vector_store_idx %arg5[%scan3A_221], %scan3A_220 {add = true} : memref<80016xf32, #tpu.memory_space<vmem>>[vector<16xi32>], vector<16xf32>,
        tpu.vector_store_idx %arg5[%scan3A_223], %scan3A_222 {add = true} : memref<80016xf32, #tpu.memory_space<vmem>>[vector<16xi32>], vector<16xf32>,
        scf.yield %get3A_238, %min3A_243, %get3A_259, %min3A_264 : vector<16xf32>, vector<16xi32>, vector<16xf32>, vector<16xi32>
      }
      %scan3A_218 = arith.constant 63 : i32
      tpu.vector_store_idx %arg5[%scan3A_217#1], %scan3A_217#0 {add = true} : memref<80016xf32, #tpu.memory_space<vmem>>[vector<16xi32>], vector<16xf32>,
      tpu.vector_store_idx %arg5[%scan3A_217#3], %scan3A_217#2 {add = true} : memref<80016xf32, #tpu.memory_space<vmem>>[vector<16xi32>], vector<16xf32>,
    }
    %scan3A_103 = arith.constant 625 : i32
    %mul3A_104 = arith.constant 1280000 : i32
    %mul3A_105 = arith.muli %select_n3A_70, %mul3A_104 : i32
    %mul3A_106 = arith.constant 160000 : i32
    %mul3A_107 = arith.muli %add3A, %mul3A_106 : i32
    %add3A_108 = arith.addi %mul3A_105, %mul3A_107 : i32
    %mul3A_109 = arith.constant 16 : i32
    %mul3A_110 = arith.muli %mul3A_72, %mul3A_109 : i32
    %add3A_111 = arith.addi %add3A_108, %mul3A_110 : i32
    "tpu.region"() ({
      %run_scoped3A = tpu.sem_alloc : memref<!tpu.dma_semaphore, #tpu.memory_space<semaphore_mem>>
      %dma_start3A_112 = arith.constant 0 : i32
      %dma_start3A_113 = tpu.memref_slice %arg5[%dma_start3A_112] : memref<80016xf32, #tpu.memory_space<vmem>> -> memref<80000xf32, #tpu.memory_space<vmem>>
      %dma_start3A_114 = tpu.memref_slice %arg4[%add3A_111] : memref<2560000xf32, #tpu.memory_space<hbm>> -> memref<80000xf32, #tpu.memory_space<hbm>>
      %dma_start3A_115 = tpu.memref_slice %arg4[%add3A_111] : memref<2560000xf32, #tpu.memory_space<hbm>> -> memref<80000xf32, #tpu.memory_space<hbm>>
      %dma_start3A_116 = arith.constant 0 : i32
      %dma_start3A_117 = tpu.memref_slice %arg5[%dma_start3A_116] : memref<80016xf32, #tpu.memory_space<vmem>> -> memref<80000xf32, #tpu.memory_space<vmem>>
      tpu.enqueue_dma source(%dma_start3A_117 : memref<80000xf32, #tpu.memory_space<vmem>>) target(%dma_start3A_115 : memref<80000xf32, #tpu.memory_space<hbm>>) target_semaphore(%run_scoped3A : memref<!tpu.dma_semaphore, #tpu.memory_space<semaphore_mem>>)
      %dma_wait3A = arith.constant 0 : i32
      %dma_wait3A_118 = tpu.memref_slice %arg5[%dma_wait3A] : memref<80016xf32, #tpu.memory_space<vmem>> -> memref<80000xf32, #tpu.memory_space<vmem>>
      %dma_wait3A_119 = tpu.memref_slice %arg4[%add3A_111] : memref<2560000xf32, #tpu.memory_space<hbm>> -> memref<80000xf32, #tpu.memory_space<hbm>>
      %dma_wait3A_120 = tpu.memref_slice %arg4[%add3A_111] : memref<2560000xf32, #tpu.memory_space<hbm>> -> memref<80000xf32, #tpu.memory_space<hbm>>
      %dma_wait3A_121 = arith.constant 0 : i32
      %dma_wait3A_122 = tpu.memref_slice %arg5[%dma_wait3A_121] : memref<80016xf32, #tpu.memory_space<vmem>> -> memref<80000xf32, #tpu.memory_space<vmem>>
      tpu.wait_dma2 semaphore(%run_scoped3A : memref<!tpu.dma_semaphore, #tpu.memory_space<semaphore_mem>>) src(%dma_wait3A_122 : memref<80000xf32, #tpu.memory_space<vmem>>) dst(%dma_wait3A_120 : memref<80000xf32, #tpu.memory_space<hbm>>)
      tpu.yield
    }) : () -> ()
    return
  }
}

#map = affine_map<(d0, d1) -> (0, 0, 0)>
#map1 = affine_map<(d0, d1) -> (0)>
module attributes {stable_mosaic.version = 14 : i64} {
  func.func @_rmw_body(%arg0: i32, %arg1: i32, %arg2: memref<8x40000x128xf32, #tpu.memory_space<hbm>>, %arg3: memref<8x40000x128xi32, #tpu.memory_space<hbm>>, %arg4: memref<1280000xf32, #tpu.memory_space<hbm>>, %arg5: memref<1280000xf32, #tpu.memory_space<hbm>>, %arg6: memref<1280000xf32, #tpu.memory_space<hbm>>, %arg7: memref<1280000xf32, #tpu.memory_space<hbm>>, %arg8: memref<40016xf32, #tpu.memory_space<vmem>>, %arg9: memref<40016xf32, #tpu.memory_space<vmem>>, %arg10: memref<40016xf32, #tpu.memory_space<vmem>>, %arg11: memref<16x128xf32, #tpu.memory_space<vmem>>, %arg12: memref<16x128xf32, #tpu.memory_space<vmem>>, %arg13: memref<16x128xi32, #tpu.memory_space<vmem>>, %arg14: memref<16x128xi32, #tpu.memory_space<vmem>>, %arg15: memref<!tpu.dma_semaphore, #tpu.memory_space<semaphore_mem>>, %arg16: memref<!tpu.dma_semaphore, #tpu.memory_space<semaphore_mem>>, %arg17: memref<!tpu.dma_semaphore, #tpu.memory_space<semaphore_mem>>, %arg18: memref<!tpu.dma_semaphore, #tpu.memory_space<semaphore_mem>>) attributes {dimension_semantics = [#tpu.dimension_semantics<core_parallel>, #tpu.dimension_semantics<subcore_parallel>], iteration_bounds = array<i64: 2, 16>, scalar_prefetch = 0 : i64, scratch_operands = 11 : i64, tpu.core_type = #tpu.core_type<sc_vector_subcore>, window_params = [{transform_indices = #map}, {transform_indices = #map}, {transform_indices = #map1}, {transform_indices = #map1}, {transform_indices = #map1}, {transform_indices = #map1}]} {
    %mul3A = arith.constant 4 : i32
    %mul3A_0 = arith.muli %arg0, %mul3A : i32
    %jit3A = arith.constant 4 : i32
    %div3A = arith.divsi %arg1, %jit3A : i32
    %sign3A = arith.constant 0 : i32
    %sign3A_1 = arith.cmpi sgt, %arg1, %sign3A : i32
    %sign3A_2 = arith.extui %sign3A_1 : i1 to i32
    %sign3A_3 = arith.constant 0 : i32
    %sign3A_4 = arith.cmpi slt, %arg1, %sign3A_3 : i32
    %sign3A_5 = arith.extui %sign3A_4 : i1 to i32
    %sign3A_6 = arith.subi %sign3A_2, %sign3A_5 : i32
    %sign3A_7 = arith.constant 0 : i32
    %sign3A_8 = arith.cmpi sgt, %jit3A, %sign3A_7 : i32
    %sign3A_9 = arith.extui %sign3A_8 : i1 to i32
    %sign3A_10 = arith.constant 0 : i32
    %sign3A_11 = arith.cmpi slt, %jit3A, %sign3A_10 : i32
    %sign3A_12 = arith.extui %sign3A_11 : i1 to i32
    %sign3A_13 = arith.subi %sign3A_9, %sign3A_12 : i32
    %ne3A = arith.cmpi ne, %sign3A_6, %sign3A_13 : i32
    %rem3A = arith.remsi %arg1, %jit3A : i32
    %ne3A_14 = arith.constant 0 : i32
    %ne3A_15 = arith.cmpi ne, %rem3A, %ne3A_14 : i32
    %and3A = arith.andi %ne3A, %ne3A_15 : i1
    %sub3A = arith.constant 1 : i32
    %sub3A_16 = arith.subi %div3A, %sub3A : i32
    %select_n3A = arith.select %and3A, %sub3A_16, %div3A : i32
    %add3A = arith.addi %mul3A_0, %select_n3A : i32
    %jit3A_17 = arith.constant 4 : i32
    %eq3A = arith.constant 0 : i32
    %eq3A_18 = arith.cmpi eq, %jit3A_17, %eq3A : i32
    %jit3A_19 = arith.constant 1 : i32
    %select_n3A_20 = arith.select %eq3A_18, %jit3A_19, %jit3A_17 : i32
    %rem3A_21 = arith.remsi %arg1, %select_n3A_20 : i32
    %ne3A_22 = arith.constant 0 : i32
    %ne3A_23 = arith.cmpi ne, %rem3A_21, %ne3A_22 : i32
    %lt3A = arith.constant 0 : i32
    %lt3A_24 = arith.cmpi slt, %rem3A_21, %lt3A : i32
    %lt3A_25 = arith.constant 0 : i32
    %lt3A_26 = arith.cmpi slt, %select_n3A_20, %lt3A_25 : i32
    %ne3A_27 = arith.xori %lt3A_24, %lt3A_26 : i1
    %and3A_28 = arith.andi %ne3A_27, %ne3A_23 : i1
    %add3A_29 = arith.addi %rem3A_21, %select_n3A_20 : i32
    %select_n3A_30 = arith.select %and3A_28, %add3A_29, %rem3A_21 : i32
    %mul3A_31 = arith.constant 2500 : i32
    %mul3A_32 = arith.muli %select_n3A_30, %mul3A_31 : i32
    %mul3A_33 = arith.constant 160000 : i32
    %mul3A_34 = arith.muli %add3A, %mul3A_33 : i32
    %mul3A_35 = arith.constant 16 : i32
    %mul3A_36 = arith.muli %mul3A_32, %mul3A_35 : i32
    %add3A_37 = arith.addi %mul3A_34, %mul3A_36 : i32
    %iota3A = tpu.iota {dimensions = array<i32: 0>} : vector<16xi32>
    "tpu.region"() ({
      %run_scoped3A = tpu.sem_alloc : memref<!tpu.dma_semaphore, #tpu.memory_space<semaphore_mem>>
      %dma_start3A_65 = arith.constant 0 : i32
      %dma_start3A_66 = tpu.memref_slice %arg8[%dma_start3A_65] : memref<40016xf32, #tpu.memory_space<vmem>> -> memref<40000xf32, #tpu.memory_space<vmem>>
      %dma_start3A_67 = tpu.memref_slice %arg4[%add3A_37] : memref<1280000xf32, #tpu.memory_space<hbm>> -> memref<40000xf32, #tpu.memory_space<hbm>>
      %dma_start3A_68 = arith.constant 0 : i32
      %dma_start3A_69 = tpu.memref_slice %arg8[%dma_start3A_68] : memref<40016xf32, #tpu.memory_space<vmem>> -> memref<40000xf32, #tpu.memory_space<vmem>>
      %dma_start3A_70 = tpu.memref_slice %arg4[%add3A_37] : memref<1280000xf32, #tpu.memory_space<hbm>> -> memref<40000xf32, #tpu.memory_space<hbm>>
      tpu.enqueue_dma source(%dma_start3A_70 : memref<40000xf32, #tpu.memory_space<hbm>>) target(%dma_start3A_69 : memref<40000xf32, #tpu.memory_space<vmem>>) target_semaphore(%run_scoped3A : memref<!tpu.dma_semaphore, #tpu.memory_space<semaphore_mem>>)
      %dma_wait3A = arith.constant 0 : i32
      %dma_wait3A_71 = tpu.memref_slice %arg8[%dma_wait3A] : memref<40016xf32, #tpu.memory_space<vmem>> -> memref<40000xf32, #tpu.memory_space<vmem>>
      %dma_wait3A_72 = tpu.memref_slice %arg4[%add3A_37] : memref<1280000xf32, #tpu.memory_space<hbm>> -> memref<40000xf32, #tpu.memory_space<hbm>>
      %dma_wait3A_73 = arith.constant 0 : i32
      %dma_wait3A_74 = tpu.memref_slice %arg8[%dma_wait3A_73] : memref<40016xf32, #tpu.memory_space<vmem>> -> memref<40000xf32, #tpu.memory_space<vmem>>
      %dma_wait3A_75 = tpu.memref_slice %arg4[%add3A_37] : memref<1280000xf32, #tpu.memory_space<hbm>> -> memref<40000xf32, #tpu.memory_space<hbm>>
      tpu.wait_dma2 semaphore(%run_scoped3A : memref<!tpu.dma_semaphore, #tpu.memory_space<semaphore_mem>>) src(%dma_wait3A_75 : memref<40000xf32, #tpu.memory_space<hbm>>) dst(%dma_wait3A_74 : memref<40000xf32, #tpu.memory_space<vmem>>)
      tpu.yield
    }) : () -> ()
    "tpu.region"() ({
      %run_scoped3A = tpu.sem_alloc : memref<!tpu.dma_semaphore, #tpu.memory_space<semaphore_mem>>
      %dma_start3A_65 = arith.constant 0 : i32
      %dma_start3A_66 = tpu.memref_slice %arg9[%dma_start3A_65] : memref<40016xf32, #tpu.memory_space<vmem>> -> memref<40000xf32, #tpu.memory_space<vmem>>
      %dma_start3A_67 = tpu.memref_slice %arg4[%add3A_37] : memref<1280000xf32, #tpu.memory_space<hbm>> -> memref<40000xf32, #tpu.memory_space<hbm>>
      %dma_start3A_68 = arith.constant 0 : i32
      %dma_start3A_69 = tpu.memref_slice %arg9[%dma_start3A_68] : memref<40016xf32, #tpu.memory_space<vmem>> -> memref<40000xf32, #tpu.memory_space<vmem>>
      %dma_start3A_70 = tpu.memref_slice %arg4[%add3A_37] : memref<1280000xf32, #tpu.memory_space<hbm>> -> memref<40000xf32, #tpu.memory_space<hbm>>
      tpu.enqueue_dma source(%dma_start3A_70 : memref<40000xf32, #tpu.memory_space<hbm>>) target(%dma_start3A_69 : memref<40000xf32, #tpu.memory_space<vmem>>) target_semaphore(%run_scoped3A : memref<!tpu.dma_semaphore, #tpu.memory_space<semaphore_mem>>)
      %dma_wait3A = arith.constant 0 : i32
      %dma_wait3A_71 = tpu.memref_slice %arg9[%dma_wait3A] : memref<40016xf32, #tpu.memory_space<vmem>> -> memref<40000xf32, #tpu.memory_space<vmem>>
      %dma_wait3A_72 = tpu.memref_slice %arg4[%add3A_37] : memref<1280000xf32, #tpu.memory_space<hbm>> -> memref<40000xf32, #tpu.memory_space<hbm>>
      %dma_wait3A_73 = arith.constant 0 : i32
      %dma_wait3A_74 = tpu.memref_slice %arg9[%dma_wait3A_73] : memref<40016xf32, #tpu.memory_space<vmem>> -> memref<40000xf32, #tpu.memory_space<vmem>>
      %dma_wait3A_75 = tpu.memref_slice %arg4[%add3A_37] : memref<1280000xf32, #tpu.memory_space<hbm>> -> memref<40000xf32, #tpu.memory_space<hbm>>
      tpu.wait_dma2 semaphore(%run_scoped3A : memref<!tpu.dma_semaphore, #tpu.memory_space<semaphore_mem>>) src(%dma_wait3A_75 : memref<40000xf32, #tpu.memory_space<hbm>>) dst(%dma_wait3A_74 : memref<40000xf32, #tpu.memory_space<vmem>>)
      tpu.yield
    }) : () -> ()
    "tpu.region"() ({
      %run_scoped3A = tpu.sem_alloc : memref<!tpu.dma_semaphore, #tpu.memory_space<semaphore_mem>>
      %dma_start3A_65 = arith.constant 0 : i32
      %dma_start3A_66 = tpu.memref_slice %arg10[%dma_start3A_65] : memref<40016xf32, #tpu.memory_space<vmem>> -> memref<40000xf32, #tpu.memory_space<vmem>>
      %dma_start3A_67 = tpu.memref_slice %arg4[%add3A_37] : memref<1280000xf32, #tpu.memory_space<hbm>> -> memref<40000xf32, #tpu.memory_space<hbm>>
      %dma_start3A_68 = arith.constant 0 : i32
      %dma_start3A_69 = tpu.memref_slice %arg10[%dma_start3A_68] : memref<40016xf32, #tpu.memory_space<vmem>> -> memref<40000xf32, #tpu.memory_space<vmem>>
      %dma_start3A_70 = tpu.memref_slice %arg4[%add3A_37] : memref<1280000xf32, #tpu.memory_space<hbm>> -> memref<40000xf32, #tpu.memory_space<hbm>>
      tpu.enqueue_dma source(%dma_start3A_70 : memref<40000xf32, #tpu.memory_space<hbm>>) target(%dma_start3A_69 : memref<40000xf32, #tpu.memory_space<vmem>>) target_semaphore(%run_scoped3A : memref<!tpu.dma_semaphore, #tpu.memory_space<semaphore_mem>>)
      %dma_wait3A = arith.constant 0 : i32
      %dma_wait3A_71 = tpu.memref_slice %arg10[%dma_wait3A] : memref<40016xf32, #tpu.memory_space<vmem>> -> memref<40000xf32, #tpu.memory_space<vmem>>
      %dma_wait3A_72 = tpu.memref_slice %arg4[%add3A_37] : memref<1280000xf32, #tpu.memory_space<hbm>> -> memref<40000xf32, #tpu.memory_space<hbm>>
      %dma_wait3A_73 = arith.constant 0 : i32
      %dma_wait3A_74 = tpu.memref_slice %arg10[%dma_wait3A_73] : memref<40016xf32, #tpu.memory_space<vmem>> -> memref<40000xf32, #tpu.memory_space<vmem>>
      %dma_wait3A_75 = tpu.memref_slice %arg4[%add3A_37] : memref<1280000xf32, #tpu.memory_space<hbm>> -> memref<40000xf32, #tpu.memory_space<hbm>>
      tpu.wait_dma2 semaphore(%run_scoped3A : memref<!tpu.dma_semaphore, #tpu.memory_space<semaphore_mem>>) src(%dma_wait3A_75 : memref<40000xf32, #tpu.memory_space<hbm>>) dst(%dma_wait3A_74 : memref<40000xf32, #tpu.memory_space<vmem>>)
      tpu.yield
    }) : () -> ()
    %mul3A_38 = arith.constant 16 : i32
    %mul3A_39 = arith.muli %mul3A_32, %mul3A_38 : i32
    %sub3A_40 = vector.broadcast %mul3A_39 : i32 to vector<16xi32>
    %sub3A_41 = arith.subi %iota3A, %sub3A_40 : vector<16xi32>
    %add3A_42 = arith.constant 40000 : i32
    %add3A_43 = vector.broadcast %add3A_42 : i32 to vector<16xi32>
    %add3A_44 = arith.addi %add3A_43, %iota3A : vector<16xi32>
    %dma_start3A = arith.constant 0 : i32
    %dma_start3A_45 = arith.constant 0 : i32
    %dma_start3A_46 = tpu.memref_slice %arg2[%add3A, %dma_start3A, %dma_start3A_45] : memref<8x40000x128xf32, #tpu.memory_space<hbm>> -> memref<1x16x128xf32, #tpu.memory_space<hbm>>
    %dma_start3A_47 = tpu.memref_squeeze %dma_start3A_46 : memref<1x16x128xf32, #tpu.memory_space<hbm>> -> memref<16x128xf32, #tpu.memory_space<hbm>>
    %dma_start3A_48 = arith.constant 0 : i32
    %dma_start3A_49 = arith.constant 0 : i32
    %dma_start3A_50 = tpu.memref_slice %arg2[%add3A, %dma_start3A_48, %dma_start3A_49] : memref<8x40000x128xf32, #tpu.memory_space<hbm>> -> memref<1x16x128xf32, #tpu.memory_space<hbm>>
    %dma_start3A_51 = tpu.memref_squeeze %dma_start3A_50 : memref<1x16x128xf32, #tpu.memory_space<hbm>> -> memref<16x128xf32, #tpu.memory_space<hbm>>
    tpu.enqueue_dma source(%dma_start3A_51 : memref<16x128xf32, #tpu.memory_space<hbm>>) target(%arg11 : memref<16x128xf32, #tpu.memory_space<vmem>>) target_semaphore(%arg15 : memref<!tpu.dma_semaphore, #tpu.memory_space<semaphore_mem>>)
    %dma_start3A_52 = arith.constant 0 : i32
    %dma_start3A_53 = arith.constant 0 : i32
    %dma_start3A_54 = tpu.memref_slice %arg3[%add3A, %dma_start3A_52, %dma_start3A_53] : memref<8x40000x128xi32, #tpu.memory_space<hbm>> -> memref<1x16x128xi32, #tpu.memory_space<hbm>>
    %dma_start3A_55 = tpu.memref_squeeze %dma_start3A_54 : memref<1x16x128xi32, #tpu.memory_space<hbm>> -> memref<16x128xi32, #tpu.memory_space<hbm>>
    %dma_start3A_56 = arith.constant 0 : i32
    %dma_start3A_57 = arith.constant 0 : i32
    %dma_start3A_58 = tpu.memref_slice %arg3[%add3A, %dma_start3A_56, %dma_start3A_57] : memref<8x40000x128xi32, #tpu.memory_space<hbm>> -> memref<1x16x128xi32, #tpu.memory_space<hbm>>
    %dma_start3A_59 = tpu.memref_squeeze %dma_start3A_58 : memref<1x16x128xi32, #tpu.memory_space<hbm>> -> memref<16x128xi32, #tpu.memory_space<hbm>>
    tpu.enqueue_dma source(%dma_start3A_59 : memref<16x128xi32, #tpu.memory_space<hbm>>) target(%arg13 : memref<16x128xi32, #tpu.memory_space<vmem>>) target_semaphore(%arg16 : memref<!tpu.dma_semaphore, #tpu.memory_space<semaphore_mem>>)
    %scan3A = arith.constant 0 : i32
    %scan3A_60 = arith.constant 0 : i32
    %scan3A_61 = arith.constant 1250 : i32
    %scan3A_62 = arith.addi %scan3A_60, %scan3A_61 : i32
    %scan3A_63 = arith.constant 1 : i32
    scf.for %scan3A_65 = %scan3A_60 to %scan3A_62 step %scan3A_63  : i32 {
      %mul3A_66 = arith.constant 2 : i32
      %mul3A_67 = arith.muli %mul3A_66, %scan3A_65 : i32
      %mul3A_68 = arith.constant 16 : i32
      %mul3A_69 = arith.muli %mul3A_67, %mul3A_68 : i32
      %add3A_70 = arith.constant 16 : i32
      %add3A_71 = arith.addi %mul3A_69, %add3A_70 : i32
      %dma_start3A_72 = arith.constant 0 : i32
      %dma_start3A_73 = tpu.memref_slice %arg2[%add3A, %add3A_71, %dma_start3A_72] : memref<8x40000x128xf32, #tpu.memory_space<hbm>> -> memref<1x16x128xf32, #tpu.memory_space<hbm>>
      %dma_start3A_74 = tpu.memref_squeeze %dma_start3A_73 : memref<1x16x128xf32, #tpu.memory_space<hbm>> -> memref<16x128xf32, #tpu.memory_space<hbm>>
      %dma_start3A_75 = arith.constant 0 : i32
      %dma_start3A_76 = tpu.memref_slice %arg2[%add3A, %add3A_71, %dma_start3A_75] : memref<8x40000x128xf32, #tpu.memory_space<hbm>> -> memref<1x16x128xf32, #tpu.memory_space<hbm>>
      %dma_start3A_77 = tpu.memref_squeeze %dma_start3A_76 : memref<1x16x128xf32, #tpu.memory_space<hbm>> -> memref<16x128xf32, #tpu.memory_space<hbm>>
      tpu.enqueue_dma source(%dma_start3A_77 : memref<16x128xf32, #tpu.memory_space<hbm>>) target(%arg12 : memref<16x128xf32, #tpu.memory_space<vmem>>) target_semaphore(%arg17 : memref<!tpu.dma_semaphore, #tpu.memory_space<semaphore_mem>>)
      %dma_start3A_78 = arith.constant 0 : i32
      %dma_start3A_79 = tpu.memref_slice %arg3[%add3A, %add3A_71, %dma_start3A_78] : memref<8x40000x128xi32, #tpu.memory_space<hbm>> -> memref<1x16x128xi32, #tpu.memory_space<hbm>>
      %dma_start3A_80 = tpu.memref_squeeze %dma_start3A_79 : memref<1x16x128xi32, #tpu.memory_space<hbm>> -> memref<16x128xi32, #tpu.memory_space<hbm>>
      %dma_start3A_81 = arith.constant 0 : i32
      %dma_start3A_82 = tpu.memref_slice %arg3[%add3A, %add3A_71, %dma_start3A_81] : memref<8x40000x128xi32, #tpu.memory_space<hbm>> -> memref<1x16x128xi32, #tpu.memory_space<hbm>>
      %dma_start3A_83 = tpu.memref_squeeze %dma_start3A_82 : memref<1x16x128xi32, #tpu.memory_space<hbm>> -> memref<16x128xi32, #tpu.memory_space<hbm>>
      tpu.enqueue_dma source(%dma_start3A_83 : memref<16x128xi32, #tpu.memory_space<hbm>>) target(%arg14 : memref<16x128xi32, #tpu.memory_space<vmem>>) target_semaphore(%arg18 : memref<!tpu.dma_semaphore, #tpu.memory_space<semaphore_mem>>)
      %dma_wait3A = arith.constant 0 : i32
      %dma_wait3A_84 = tpu.memref_slice %arg2[%add3A, %mul3A_69, %dma_wait3A] : memref<8x40000x128xf32, #tpu.memory_space<hbm>> -> memref<1x16x128xf32, #tpu.memory_space<hbm>>
      %dma_wait3A_85 = tpu.memref_squeeze %dma_wait3A_84 : memref<1x16x128xf32, #tpu.memory_space<hbm>> -> memref<16x128xf32, #tpu.memory_space<hbm>>
      %dma_wait3A_86 = arith.constant 0 : i32
      %dma_wait3A_87 = tpu.memref_slice %arg2[%add3A, %mul3A_69, %dma_wait3A_86] : memref<8x40000x128xf32, #tpu.memory_space<hbm>> -> memref<1x16x128xf32, #tpu.memory_space<hbm>>
      %dma_wait3A_88 = tpu.memref_squeeze %dma_wait3A_87 : memref<1x16x128xf32, #tpu.memory_space<hbm>> -> memref<16x128xf32, #tpu.memory_space<hbm>>
      tpu.wait_dma2 semaphore(%arg15 : memref<!tpu.dma_semaphore, #tpu.memory_space<semaphore_mem>>) src(%dma_wait3A_88 : memref<16x128xf32, #tpu.memory_space<hbm>>) dst(%arg11 : memref<16x128xf32, #tpu.memory_space<vmem>>)
      %dma_wait3A_89 = arith.constant 0 : i32
      %dma_wait3A_90 = tpu.memref_slice %arg3[%add3A, %mul3A_69, %dma_wait3A_89] : memref<8x40000x128xi32, #tpu.memory_space<hbm>> -> memref<1x16x128xi32, #tpu.memory_space<hbm>>
      %dma_wait3A_91 = tpu.memref_squeeze %dma_wait3A_90 : memref<1x16x128xi32, #tpu.memory_space<hbm>> -> memref<16x128xi32, #tpu.memory_space<hbm>>
      %dma_wait3A_92 = arith.constant 0 : i32
      %dma_wait3A_93 = tpu.memref_slice %arg3[%add3A, %mul3A_69, %dma_wait3A_92] : memref<8x40000x128xi32, #tpu.memory_space<hbm>> -> memref<1x16x128xi32, #tpu.memory_space<hbm>>
      %dma_wait3A_94 = tpu.memref_squeeze %dma_wait3A_93 : memref<1x16x128xi32, #tpu.memory_space<hbm>> -> memref<16x128xi32, #tpu.memory_space<hbm>>
      tpu.wait_dma2 semaphore(%arg16 : memref<!tpu.dma_semaphore, #tpu.memory_space<semaphore_mem>>) src(%dma_wait3A_94 : memref<16x128xi32, #tpu.memory_space<hbm>>) dst(%arg13 : memref<16x128xi32, #tpu.memory_space<vmem>>)
      %get3A = arith.constant 0 : i32
      %get3A_95 = arith.index_cast %get3A : i32 to index
      %get3A_96 = arith.constant 0 : index
      %get3A_97 = tpu.vector_load %arg13[%get3A_95, %get3A_96] {strides = array<i32>} : memref<16x128xi32, #tpu.memory_space<vmem>>, vector<16xi32>,
      %get3A_98 = arith.constant 0 : i32
      %get3A_99 = arith.index_cast %get3A_98 : i32 to index
      %get3A_100 = arith.constant 0 : index
      %get3A_101 = tpu.vector_load %arg11[%get3A_99, %get3A_100] {strides = array<i32>} : memref<16x128xf32, #tpu.memory_space<vmem>>, vector<16xf32>,
      %shift_left3A = arith.constant 4 : i32
      %shift_left3A_102 = vector.broadcast %shift_left3A : i32 to vector<16xi32>
      %shift_left3A_103 = arith.shli %get3A_97, %shift_left3A_102 : vector<16xi32>
      %add3A_104 = arith.addi %shift_left3A_103, %sub3A_41 : vector<16xi32>
      %min3A = arith.minui %add3A_104, %add3A_44 : vector<16xi32>
      %get3A_105 = arith.constant 0 : i32
      %get3A_106 = arith.index_cast %get3A_105 : i32 to index
      %get3A_107 = arith.constant 16 : index
      %get3A_108 = tpu.vector_load %arg13[%get3A_106, %get3A_107] {strides = array<i32>} : memref<16x128xi32, #tpu.memory_space<vmem>>, vector<16xi32>,
      %get3A_109 = arith.constant 0 : i32
      %get3A_110 = arith.index_cast %get3A_109 : i32 to index
      %get3A_111 = arith.constant 16 : index
      %get3A_112 = tpu.vector_load %arg11[%get3A_110, %get3A_111] {strides = array<i32>} : memref<16x128xf32, #tpu.memory_space<vmem>>, vector<16xf32>,
      %shift_left3A_113 = arith.constant 4 : i32
      %shift_left3A_114 = vector.broadcast %shift_left3A_113 : i32 to vector<16xi32>
      %shift_left3A_115 = arith.shli %get3A_108, %shift_left3A_114 : vector<16xi32>
      %add3A_116 = arith.addi %shift_left3A_115, %sub3A_41 : vector<16xi32>
      %min3A_117 = arith.minui %add3A_116, %add3A_44 : vector<16xi32>
      %scan3A_118 = arith.constant 0 : i32
      %scan3A_119 = arith.constant 63 : i32
      %scan3A_120 = arith.addi %scan3A_118, %scan3A_119 : i32
      %scan3A_121 = arith.constant 1 : i32
      %scan3A_122:4 = scf.for %scan3A_193 = %scan3A_118 to %scan3A_120 step %scan3A_121 iter_args(%scan3A_194 = %get3A_101, %scan3A_195 = %min3A, %scan3A_196 = %get3A_112, %scan3A_197 = %min3A_117) -> (vector<16xf32>, vector<16xi32>, vector<16xf32>, vector<16xi32>)  : i32 {
        %mul3A_198 = arith.constant 2 : i32
        %mul3A_199 = arith.muli %mul3A_198, %scan3A_193 : i32
        %add3A_200 = arith.constant 2 : i32
        %add3A_201 = arith.addi %mul3A_199, %add3A_200 : i32
        %shift_right_arithmetic3A = arith.constant 3 : i32
        %shift_right_arithmetic3A_202 = arith.shrsi %add3A_201, %shift_right_arithmetic3A : i32
        %and3A_203 = arith.constant 7 : i32
        %and3A_204 = arith.andi %add3A_201, %and3A_203 : i32
        %mul3A_205 = arith.constant 16 : i32
        %mul3A_206 = arith.muli %and3A_204, %mul3A_205 : i32
        %get3A_207 = arith.index_cast %shift_right_arithmetic3A_202 : i32 to index
        %get3A_208 = arith.index_cast %mul3A_206 : i32 to index
        %get3A_209 = tpu.vector_load %arg13[%get3A_207, %get3A_208] {strides = array<i32>} : memref<16x128xi32, #tpu.memory_space<vmem>>, vector<16xi32>,
        %get3A_210 = arith.index_cast %shift_right_arithmetic3A_202 : i32 to index
        %get3A_211 = arith.index_cast %mul3A_206 : i32 to index
        %get3A_212 = tpu.vector_load %arg11[%get3A_210, %get3A_211] {strides = array<i32>} : memref<16x128xf32, #tpu.memory_space<vmem>>, vector<16xf32>,
        %shift_left3A_213 = arith.constant 4 : i32
        %shift_left3A_214 = vector.broadcast %shift_left3A_213 : i32 to vector<16xi32>
        %shift_left3A_215 = arith.shli %get3A_209, %shift_left3A_214 : vector<16xi32>
        %add3A_216 = arith.addi %shift_left3A_215, %sub3A_41 : vector<16xi32>
        %min3A_217 = arith.minui %add3A_216, %add3A_44 : vector<16xi32>
        %mul3A_218 = arith.constant 2 : i32
        %mul3A_219 = arith.muli %mul3A_218, %scan3A_193 : i32
        %add3A_220 = arith.constant 3 : i32
        %add3A_221 = arith.addi %mul3A_219, %add3A_220 : i32
        %shift_right_arithmetic3A_222 = arith.constant 3 : i32
        %shift_right_arithmetic3A_223 = arith.shrsi %add3A_221, %shift_right_arithmetic3A_222 : i32
        %and3A_224 = arith.constant 7 : i32
        %and3A_225 = arith.andi %add3A_221, %and3A_224 : i32
        %mul3A_226 = arith.constant 16 : i32
        %mul3A_227 = arith.muli %and3A_225, %mul3A_226 : i32
        %get3A_228 = arith.index_cast %shift_right_arithmetic3A_223 : i32 to index
        %get3A_229 = arith.index_cast %mul3A_227 : i32 to index
        %get3A_230 = tpu.vector_load %arg13[%get3A_228, %get3A_229] {strides = array<i32>} : memref<16x128xi32, #tpu.memory_space<vmem>>, vector<16xi32>,
        %get3A_231 = arith.index_cast %shift_right_arithmetic3A_223 : i32 to index
        %get3A_232 = arith.index_cast %mul3A_227 : i32 to index
        %get3A_233 = tpu.vector_load %arg11[%get3A_231, %get3A_232] {strides = array<i32>} : memref<16x128xf32, #tpu.memory_space<vmem>>, vector<16xf32>,
        %shift_left3A_234 = arith.constant 4 : i32
        %shift_left3A_235 = vector.broadcast %shift_left3A_234 : i32 to vector<16xi32>
        %shift_left3A_236 = arith.shli %get3A_230, %shift_left3A_235 : vector<16xi32>
        %add3A_237 = arith.addi %shift_left3A_236, %sub3A_41 : vector<16xi32>
        %min3A_238 = arith.minui %add3A_237, %add3A_44 : vector<16xi32>
        %gather3A_239 = tpu.vector_load_idx %arg8[%scan3A_195] : memref<40016xf32, #tpu.memory_space<vmem>>[vector<16xi32>], vector<16xf32>,
        %gather3A_240 = tpu.vector_load_idx %arg9[%scan3A_195] : memref<40016xf32, #tpu.memory_space<vmem>>[vector<16xi32>], vector<16xf32>,
        %gather3A_241 = tpu.vector_load_idx %arg10[%scan3A_195] : memref<40016xf32, #tpu.memory_space<vmem>>[vector<16xi32>], vector<16xf32>,
        %max3A_242 = arith.maximumf %gather3A_239, %scan3A_194 : vector<16xf32>
        tpu.vector_store_idx %arg8[%scan3A_195], %max3A_242 : memref<40016xf32, #tpu.memory_space<vmem>>[vector<16xi32>], vector<16xf32>,
        %min3A_243 = arith.minimumf %gather3A_240, %scan3A_194 : vector<16xf32>
        tpu.vector_store_idx %arg9[%scan3A_195], %min3A_243 : memref<40016xf32, #tpu.memory_space<vmem>>[vector<16xi32>], vector<16xf32>,
        %mul3A_244 = arith.mulf %gather3A_241, %scan3A_194 : vector<16xf32>
        tpu.vector_store_idx %arg10[%scan3A_195], %mul3A_244 : memref<40016xf32, #tpu.memory_space<vmem>>[vector<16xi32>], vector<16xf32>,
        %gather3A_245 = tpu.vector_load_idx %arg8[%scan3A_197] : memref<40016xf32, #tpu.memory_space<vmem>>[vector<16xi32>], vector<16xf32>,
        %gather3A_246 = tpu.vector_load_idx %arg9[%scan3A_197] : memref<40016xf32, #tpu.memory_space<vmem>>[vector<16xi32>], vector<16xf32>,
        %gather3A_247 = tpu.vector_load_idx %arg10[%scan3A_197] : memref<40016xf32, #tpu.memory_space<vmem>>[vector<16xi32>], vector<16xf32>,
        %max3A_248 = arith.maximumf %gather3A_245, %scan3A_196 : vector<16xf32>
        tpu.vector_store_idx %arg8[%scan3A_197], %max3A_248 : memref<40016xf32, #tpu.memory_space<vmem>>[vector<16xi32>], vector<16xf32>,
        %min3A_249 = arith.minimumf %gather3A_246, %scan3A_196 : vector<16xf32>
        tpu.vector_store_idx %arg9[%scan3A_197], %min3A_249 : memref<40016xf32, #tpu.memory_space<vmem>>[vector<16xi32>], vector<16xf32>,
        %mul3A_250 = arith.mulf %gather3A_247, %scan3A_196 : vector<16xf32>
        tpu.vector_store_idx %arg10[%scan3A_197], %mul3A_250 : memref<40016xf32, #tpu.memory_space<vmem>>[vector<16xi32>], vector<16xf32>,
        scf.yield %get3A_212, %min3A_217, %get3A_233, %min3A_238 : vector<16xf32>, vector<16xi32>, vector<16xf32>, vector<16xi32>
      }
      %scan3A_123 = arith.constant 63 : i32
      %gather3A = tpu.vector_load_idx %arg8[%scan3A_122#1] : memref<40016xf32, #tpu.memory_space<vmem>>[vector<16xi32>], vector<16xf32>,
      %gather3A_124 = tpu.vector_load_idx %arg9[%scan3A_122#1] : memref<40016xf32, #tpu.memory_space<vmem>>[vector<16xi32>], vector<16xf32>,
      %gather3A_125 = tpu.vector_load_idx %arg10[%scan3A_122#1] : memref<40016xf32, #tpu.memory_space<vmem>>[vector<16xi32>], vector<16xf32>,
      %max3A = arith.maximumf %gather3A, %scan3A_122#0 : vector<16xf32>
      tpu.vector_store_idx %arg8[%scan3A_122#1], %max3A : memref<40016xf32, #tpu.memory_space<vmem>>[vector<16xi32>], vector<16xf32>,
      %min3A_126 = arith.minimumf %gather3A_124, %scan3A_122#0 : vector<16xf32>
      tpu.vector_store_idx %arg9[%scan3A_122#1], %min3A_126 : memref<40016xf32, #tpu.memory_space<vmem>>[vector<16xi32>], vector<16xf32>,
      %mul3A_127 = arith.mulf %gather3A_125, %scan3A_122#0 : vector<16xf32>
      tpu.vector_store_idx %arg10[%scan3A_122#1], %mul3A_127 : memref<40016xf32, #tpu.memory_space<vmem>>[vector<16xi32>], vector<16xf32>,
      %gather3A_128 = tpu.vector_load_idx %arg8[%scan3A_122#3] : memref<40016xf32, #tpu.memory_space<vmem>>[vector<16xi32>], vector<16xf32>,
      %gather3A_129 = tpu.vector_load_idx %arg9[%scan3A_122#3] : memref<40016xf32, #tpu.memory_space<vmem>>[vector<16xi32>], vector<16xf32>,
      %gather3A_130 = tpu.vector_load_idx %arg10[%scan3A_122#3] : memref<40016xf32, #tpu.memory_space<vmem>>[vector<16xi32>], vector<16xf32>,
      %max3A_131 = arith.maximumf %gather3A_128, %scan3A_122#2 : vector<16xf32>
      tpu.vector_store_idx %arg8[%scan3A_122#3], %max3A_131 : memref<40016xf32, #tpu.memory_space<vmem>>[vector<16xi32>], vector<16xf32>,
      %min3A_132 = arith.minimumf %gather3A_129, %scan3A_122#2 : vector<16xf32>
      tpu.vector_store_idx %arg9[%scan3A_122#3], %min3A_132 : memref<40016xf32, #tpu.memory_space<vmem>>[vector<16xi32>], vector<16xf32>,
      %mul3A_133 = arith.mulf %gather3A_130, %scan3A_122#2 : vector<16xf32>
      tpu.vector_store_idx %arg10[%scan3A_122#3], %mul3A_133 : memref<40016xf32, #tpu.memory_space<vmem>>[vector<16xi32>], vector<16xf32>,
      %lt3A_134 = arith.constant 1249 : i32
      %lt3A_135 = arith.cmpi slt, %scan3A_65, %lt3A_134 : i32
      %convert_element_type3A = arith.extui %lt3A_135 : i1 to i32
      %cond3A = arith.constant 0 : i32
      %cond3A_136 = arith.cmpi ne, %convert_element_type3A, %cond3A : i32
      scf.if %cond3A_136 {
        %add3A_193 = arith.constant 16 : i32
        %add3A_194 = arith.addi %add3A_71, %add3A_193 : i32
        %dma_start3A_195 = arith.constant 0 : i32
        %dma_start3A_196 = tpu.memref_slice %arg2[%add3A, %add3A_194, %dma_start3A_195] : memref<8x40000x128xf32, #tpu.memory_space<hbm>> -> memref<1x16x128xf32, #tpu.memory_space<hbm>>
        %dma_start3A_197 = tpu.memref_squeeze %dma_start3A_196 : memref<1x16x128xf32, #tpu.memory_space<hbm>> -> memref<16x128xf32, #tpu.memory_space<hbm>>
        %dma_start3A_198 = arith.constant 0 : i32
        %dma_start3A_199 = tpu.memref_slice %arg2[%add3A, %add3A_194, %dma_start3A_198] : memref<8x40000x128xf32, #tpu.memory_space<hbm>> -> memref<1x16x128xf32, #tpu.memory_space<hbm>>
        %dma_start3A_200 = tpu.memref_squeeze %dma_start3A_199 : memref<1x16x128xf32, #tpu.memory_space<hbm>> -> memref<16x128xf32, #tpu.memory_space<hbm>>
        tpu.enqueue_dma source(%dma_start3A_200 : memref<16x128xf32, #tpu.memory_space<hbm>>) target(%arg11 : memref<16x128xf32, #tpu.memory_space<vmem>>) target_semaphore(%arg15 : memref<!tpu.dma_semaphore, #tpu.memory_space<semaphore_mem>>)
        %dma_start3A_201 = arith.constant 0 : i32
        %dma_start3A_202 = tpu.memref_slice %arg3[%add3A, %add3A_194, %dma_start3A_201] : memref<8x40000x128xi32, #tpu.memory_space<hbm>> -> memref<1x16x128xi32, #tpu.memory_space<hbm>>
        %dma_start3A_203 = tpu.memref_squeeze %dma_start3A_202 : memref<1x16x128xi32, #tpu.memory_space<hbm>> -> memref<16x128xi32, #tpu.memory_space<hbm>>
        %dma_start3A_204 = arith.constant 0 : i32
        %dma_start3A_205 = tpu.memref_slice %arg3[%add3A, %add3A_194, %dma_start3A_204] : memref<8x40000x128xi32, #tpu.memory_space<hbm>> -> memref<1x16x128xi32, #tpu.memory_space<hbm>>
        %dma_start3A_206 = tpu.memref_squeeze %dma_start3A_205 : memref<1x16x128xi32, #tpu.memory_space<hbm>> -> memref<16x128xi32, #tpu.memory_space<hbm>>
        tpu.enqueue_dma source(%dma_start3A_206 : memref<16x128xi32, #tpu.memory_space<hbm>>) target(%arg13 : memref<16x128xi32, #tpu.memory_space<vmem>>) target_semaphore(%arg16 : memref<!tpu.dma_semaphore, #tpu.memory_space<semaphore_mem>>)
      } else {
      }
      %dma_wait3A_137 = arith.constant 0 : i32
      %dma_wait3A_138 = tpu.memref_slice %arg2[%add3A, %add3A_71, %dma_wait3A_137] : memref<8x40000x128xf32, #tpu.memory_space<hbm>> -> memref<1x16x128xf32, #tpu.memory_space<hbm>>
      %dma_wait3A_139 = tpu.memref_squeeze %dma_wait3A_138 : memref<1x16x128xf32, #tpu.memory_space<hbm>> -> memref<16x128xf32, #tpu.memory_space<hbm>>
      %dma_wait3A_140 = arith.constant 0 : i32
      %dma_wait3A_141 = tpu.memref_slice %arg2[%add3A, %add3A_71, %dma_wait3A_140] : memref<8x40000x128xf32, #tpu.memory_space<hbm>> -> memref<1x16x128xf32, #tpu.memory_space<hbm>>
      %dma_wait3A_142 = tpu.memref_squeeze %dma_wait3A_141 : memref<1x16x128xf32, #tpu.memory_space<hbm>> -> memref<16x128xf32, #tpu.memory_space<hbm>>
      tpu.wait_dma2 semaphore(%arg17 : memref<!tpu.dma_semaphore, #tpu.memory_space<semaphore_mem>>) src(%dma_wait3A_142 : memref<16x128xf32, #tpu.memory_space<hbm>>) dst(%arg12 : memref<16x128xf32, #tpu.memory_space<vmem>>)
      %dma_wait3A_143 = arith.constant 0 : i32
      %dma_wait3A_144 = tpu.memref_slice %arg3[%add3A, %add3A_71, %dma_wait3A_143] : memref<8x40000x128xi32, #tpu.memory_space<hbm>> -> memref<1x16x128xi32, #tpu.memory_space<hbm>>
      %dma_wait3A_145 = tpu.memref_squeeze %dma_wait3A_144 : memref<1x16x128xi32, #tpu.memory_space<hbm>> -> memref<16x128xi32, #tpu.memory_space<hbm>>
      %dma_wait3A_146 = arith.constant 0 : i32
      %dma_wait3A_147 = tpu.memref_slice %arg3[%add3A, %add3A_71, %dma_wait3A_146] : memref<8x40000x128xi32, #tpu.memory_space<hbm>> -> memref<1x16x128xi32, #tpu.memory_space<hbm>>
      %dma_wait3A_148 = tpu.memref_squeeze %dma_wait3A_147 : memref<1x16x128xi32, #tpu.memory_space<hbm>> -> memref<16x128xi32, #tpu.memory_space<hbm>>
      tpu.wait_dma2 semaphore(%arg18 : memref<!tpu.dma_semaphore, #tpu.memory_space<semaphore_mem>>) src(%dma_wait3A_148 : memref<16x128xi32, #tpu.memory_space<hbm>>) dst(%arg14 : memref<16x128xi32, #tpu.memory_space<vmem>>)
      %get3A_149 = arith.constant 0 : i32
      %get3A_150 = arith.index_cast %get3A_149 : i32 to index
      %get3A_151 = arith.constant 0 : index
      %get3A_152 = tpu.vector_load %arg14[%get3A_150, %get3A_151] {strides = array<i32>} : memref<16x128xi32, #tpu.memory_space<vmem>>, vector<16xi32>,
      %get3A_153 = arith.constant 0 : i32
      %get3A_154 = arith.index_cast %get3A_153 : i32 to index
      %get3A_155 = arith.constant 0 : index
      %get3A_156 = tpu.vector_load %arg12[%get3A_154, %get3A_155] {strides = array<i32>} : memref<16x128xf32, #tpu.memory_space<vmem>>, vector<16xf32>,
      %shift_left3A_157 = arith.constant 4 : i32
      %shift_left3A_158 = vector.broadcast %shift_left3A_157 : i32 to vector<16xi32>
      %shift_left3A_159 = arith.shli %get3A_152, %shift_left3A_158 : vector<16xi32>
      %add3A_160 = arith.addi %shift_left3A_159, %sub3A_41 : vector<16xi32>
      %min3A_161 = arith.minui %add3A_160, %add3A_44 : vector<16xi32>
      %get3A_162 = arith.constant 0 : i32
      %get3A_163 = arith.index_cast %get3A_162 : i32 to index
      %get3A_164 = arith.constant 16 : index
      %get3A_165 = tpu.vector_load %arg14[%get3A_163, %get3A_164] {strides = array<i32>} : memref<16x128xi32, #tpu.memory_space<vmem>>, vector<16xi32>,
      %get3A_166 = arith.constant 0 : i32
      %get3A_167 = arith.index_cast %get3A_166 : i32 to index
      %get3A_168 = arith.constant 16 : index
      %get3A_169 = tpu.vector_load %arg12[%get3A_167, %get3A_168] {strides = array<i32>} : memref<16x128xf32, #tpu.memory_space<vmem>>, vector<16xf32>,
      %shift_left3A_170 = arith.constant 4 : i32
      %shift_left3A_171 = vector.broadcast %shift_left3A_170 : i32 to vector<16xi32>
      %shift_left3A_172 = arith.shli %get3A_165, %shift_left3A_171 : vector<16xi32>
      %add3A_173 = arith.addi %shift_left3A_172, %sub3A_41 : vector<16xi32>
      %min3A_174 = arith.minui %add3A_173, %add3A_44 : vector<16xi32>
      %scan3A_175 = arith.constant 0 : i32
      %scan3A_176 = arith.constant 63 : i32
      %scan3A_177 = arith.addi %scan3A_175, %scan3A_176 : i32
      %scan3A_178 = arith.constant 1 : i32
      %scan3A_179:4 = scf.for %scan3A_193 = %scan3A_175 to %scan3A_177 step %scan3A_178 iter_args(%scan3A_194 = %get3A_156, %scan3A_195 = %min3A_161, %scan3A_196 = %get3A_169, %scan3A_197 = %min3A_174) -> (vector<16xf32>, vector<16xi32>, vector<16xf32>, vector<16xi32>)  : i32 {
        %mul3A_198 = arith.constant 2 : i32
        %mul3A_199 = arith.muli %mul3A_198, %scan3A_193 : i32
        %add3A_200 = arith.constant 2 : i32
        %add3A_201 = arith.addi %mul3A_199, %add3A_200 : i32
        %shift_right_arithmetic3A = arith.constant 3 : i32
        %shift_right_arithmetic3A_202 = arith.shrsi %add3A_201, %shift_right_arithmetic3A : i32
        %and3A_203 = arith.constant 7 : i32
        %and3A_204 = arith.andi %add3A_201, %and3A_203 : i32
        %mul3A_205 = arith.constant 16 : i32
        %mul3A_206 = arith.muli %and3A_204, %mul3A_205 : i32
        %get3A_207 = arith.index_cast %shift_right_arithmetic3A_202 : i32 to index
        %get3A_208 = arith.index_cast %mul3A_206 : i32 to index
        %get3A_209 = tpu.vector_load %arg14[%get3A_207, %get3A_208] {strides = array<i32>} : memref<16x128xi32, #tpu.memory_space<vmem>>, vector<16xi32>,
        %get3A_210 = arith.index_cast %shift_right_arithmetic3A_202 : i32 to index
        %get3A_211 = arith.index_cast %mul3A_206 : i32 to index
        %get3A_212 = tpu.vector_load %arg12[%get3A_210, %get3A_211] {strides = array<i32>} : memref<16x128xf32, #tpu.memory_space<vmem>>, vector<16xf32>,
        %shift_left3A_213 = arith.constant 4 : i32
        %shift_left3A_214 = vector.broadcast %shift_left3A_213 : i32 to vector<16xi32>
        %shift_left3A_215 = arith.shli %get3A_209, %shift_left3A_214 : vector<16xi32>
        %add3A_216 = arith.addi %shift_left3A_215, %sub3A_41 : vector<16xi32>
        %min3A_217 = arith.minui %add3A_216, %add3A_44 : vector<16xi32>
        %mul3A_218 = arith.constant 2 : i32
        %mul3A_219 = arith.muli %mul3A_218, %scan3A_193 : i32
        %add3A_220 = arith.constant 3 : i32
        %add3A_221 = arith.addi %mul3A_219, %add3A_220 : i32
        %shift_right_arithmetic3A_222 = arith.constant 3 : i32
        %shift_right_arithmetic3A_223 = arith.shrsi %add3A_221, %shift_right_arithmetic3A_222 : i32
        %and3A_224 = arith.constant 7 : i32
        %and3A_225 = arith.andi %add3A_221, %and3A_224 : i32
        %mul3A_226 = arith.constant 16 : i32
        %mul3A_227 = arith.muli %and3A_225, %mul3A_226 : i32
        %get3A_228 = arith.index_cast %shift_right_arithmetic3A_223 : i32 to index
        %get3A_229 = arith.index_cast %mul3A_227 : i32 to index
        %get3A_230 = tpu.vector_load %arg14[%get3A_228, %get3A_229] {strides = array<i32>} : memref<16x128xi32, #tpu.memory_space<vmem>>, vector<16xi32>,
        %get3A_231 = arith.index_cast %shift_right_arithmetic3A_223 : i32 to index
        %get3A_232 = arith.index_cast %mul3A_227 : i32 to index
        %get3A_233 = tpu.vector_load %arg12[%get3A_231, %get3A_232] {strides = array<i32>} : memref<16x128xf32, #tpu.memory_space<vmem>>, vector<16xf32>,
        %shift_left3A_234 = arith.constant 4 : i32
        %shift_left3A_235 = vector.broadcast %shift_left3A_234 : i32 to vector<16xi32>
        %shift_left3A_236 = arith.shli %get3A_230, %shift_left3A_235 : vector<16xi32>
        %add3A_237 = arith.addi %shift_left3A_236, %sub3A_41 : vector<16xi32>
        %min3A_238 = arith.minui %add3A_237, %add3A_44 : vector<16xi32>
        %gather3A_239 = tpu.vector_load_idx %arg8[%scan3A_195] : memref<40016xf32, #tpu.memory_space<vmem>>[vector<16xi32>], vector<16xf32>,
        %gather3A_240 = tpu.vector_load_idx %arg9[%scan3A_195] : memref<40016xf32, #tpu.memory_space<vmem>>[vector<16xi32>], vector<16xf32>,
        %gather3A_241 = tpu.vector_load_idx %arg10[%scan3A_195] : memref<40016xf32, #tpu.memory_space<vmem>>[vector<16xi32>], vector<16xf32>,
        %max3A_242 = arith.maximumf %gather3A_239, %scan3A_194 : vector<16xf32>
        tpu.vector_store_idx %arg8[%scan3A_195], %max3A_242 : memref<40016xf32, #tpu.memory_space<vmem>>[vector<16xi32>], vector<16xf32>,
        %min3A_243 = arith.minimumf %gather3A_240, %scan3A_194 : vector<16xf32>
        tpu.vector_store_idx %arg9[%scan3A_195], %min3A_243 : memref<40016xf32, #tpu.memory_space<vmem>>[vector<16xi32>], vector<16xf32>,
        %mul3A_244 = arith.mulf %gather3A_241, %scan3A_194 : vector<16xf32>
        tpu.vector_store_idx %arg10[%scan3A_195], %mul3A_244 : memref<40016xf32, #tpu.memory_space<vmem>>[vector<16xi32>], vector<16xf32>,
        %gather3A_245 = tpu.vector_load_idx %arg8[%scan3A_197] : memref<40016xf32, #tpu.memory_space<vmem>>[vector<16xi32>], vector<16xf32>,
        %gather3A_246 = tpu.vector_load_idx %arg9[%scan3A_197] : memref<40016xf32, #tpu.memory_space<vmem>>[vector<16xi32>], vector<16xf32>,
        %gather3A_247 = tpu.vector_load_idx %arg10[%scan3A_197] : memref<40016xf32, #tpu.memory_space<vmem>>[vector<16xi32>], vector<16xf32>,
        %max3A_248 = arith.maximumf %gather3A_245, %scan3A_196 : vector<16xf32>
        tpu.vector_store_idx %arg8[%scan3A_197], %max3A_248 : memref<40016xf32, #tpu.memory_space<vmem>>[vector<16xi32>], vector<16xf32>,
        %min3A_249 = arith.minimumf %gather3A_246, %scan3A_196 : vector<16xf32>
        tpu.vector_store_idx %arg9[%scan3A_197], %min3A_249 : memref<40016xf32, #tpu.memory_space<vmem>>[vector<16xi32>], vector<16xf32>,
        %mul3A_250 = arith.mulf %gather3A_247, %scan3A_196 : vector<16xf32>
        tpu.vector_store_idx %arg10[%scan3A_197], %mul3A_250 : memref<40016xf32, #tpu.memory_space<vmem>>[vector<16xi32>], vector<16xf32>,
        scf.yield %get3A_212, %min3A_217, %get3A_233, %min3A_238 : vector<16xf32>, vector<16xi32>, vector<16xf32>, vector<16xi32>
      }
      %scan3A_180 = arith.constant 63 : i32
      %gather3A_181 = tpu.vector_load_idx %arg8[%scan3A_179#1] : memref<40016xf32, #tpu.memory_space<vmem>>[vector<16xi32>], vector<16xf32>,
      %gather3A_182 = tpu.vector_load_idx %arg9[%scan3A_179#1] : memref<40016xf32, #tpu.memory_space<vmem>>[vector<16xi32>], vector<16xf32>,
      %gather3A_183 = tpu.vector_load_idx %arg10[%scan3A_179#1] : memref<40016xf32, #tpu.memory_space<vmem>>[vector<16xi32>], vector<16xf32>,
      %max3A_184 = arith.maximumf %gather3A_181, %scan3A_179#0 : vector<16xf32>
      tpu.vector_store_idx %arg8[%scan3A_179#1], %max3A_184 : memref<40016xf32, #tpu.memory_space<vmem>>[vector<16xi32>], vector<16xf32>,
      %min3A_185 = arith.minimumf %gather3A_182, %scan3A_179#0 : vector<16xf32>
      tpu.vector_store_idx %arg9[%scan3A_179#1], %min3A_185 : memref<40016xf32, #tpu.memory_space<vmem>>[vector<16xi32>], vector<16xf32>,
      %mul3A_186 = arith.mulf %gather3A_183, %scan3A_179#0 : vector<16xf32>
      tpu.vector_store_idx %arg10[%scan3A_179#1], %mul3A_186 : memref<40016xf32, #tpu.memory_space<vmem>>[vector<16xi32>], vector<16xf32>,
      %gather3A_187 = tpu.vector_load_idx %arg8[%scan3A_179#3] : memref<40016xf32, #tpu.memory_space<vmem>>[vector<16xi32>], vector<16xf32>,
      %gather3A_188 = tpu.vector_load_idx %arg9[%scan3A_179#3] : memref<40016xf32, #tpu.memory_space<vmem>>[vector<16xi32>], vector<16xf32>,
      %gather3A_189 = tpu.vector_load_idx %arg10[%scan3A_179#3] : memref<40016xf32, #tpu.memory_space<vmem>>[vector<16xi32>], vector<16xf32>,
      %max3A_190 = arith.maximumf %gather3A_187, %scan3A_179#2 : vector<16xf32>
      tpu.vector_store_idx %arg8[%scan3A_179#3], %max3A_190 : memref<40016xf32, #tpu.memory_space<vmem>>[vector<16xi32>], vector<16xf32>,
      %min3A_191 = arith.minimumf %gather3A_188, %scan3A_179#2 : vector<16xf32>
      tpu.vector_store_idx %arg9[%scan3A_179#3], %min3A_191 : memref<40016xf32, #tpu.memory_space<vmem>>[vector<16xi32>], vector<16xf32>,
      %mul3A_192 = arith.mulf %gather3A_189, %scan3A_179#2 : vector<16xf32>
      tpu.vector_store_idx %arg10[%scan3A_179#3], %mul3A_192 : memref<40016xf32, #tpu.memory_space<vmem>>[vector<16xi32>], vector<16xf32>,
    }
    %scan3A_64 = arith.constant 1250 : i32
    "tpu.region"() ({
      %run_scoped3A = tpu.sem_alloc : memref<!tpu.dma_semaphore, #tpu.memory_space<semaphore_mem>>
      %dma_start3A_65 = arith.constant 0 : i32
      %dma_start3A_66 = tpu.memref_slice %arg8[%dma_start3A_65] : memref<40016xf32, #tpu.memory_space<vmem>> -> memref<40000xf32, #tpu.memory_space<vmem>>
      %dma_start3A_67 = tpu.memref_slice %arg5[%add3A_37] : memref<1280000xf32, #tpu.memory_space<hbm>> -> memref<40000xf32, #tpu.memory_space<hbm>>
      %dma_start3A_68 = tpu.memref_slice %arg5[%add3A_37] : memref<1280000xf32, #tpu.memory_space<hbm>> -> memref<40000xf32, #tpu.memory_space<hbm>>
      %dma_start3A_69 = arith.constant 0 : i32
      %dma_start3A_70 = tpu.memref_slice %arg8[%dma_start3A_69] : memref<40016xf32, #tpu.memory_space<vmem>> -> memref<40000xf32, #tpu.memory_space<vmem>>
      tpu.enqueue_dma source(%dma_start3A_70 : memref<40000xf32, #tpu.memory_space<vmem>>) target(%dma_start3A_68 : memref<40000xf32, #tpu.memory_space<hbm>>) target_semaphore(%run_scoped3A : memref<!tpu.dma_semaphore, #tpu.memory_space<semaphore_mem>>)
      %dma_wait3A = arith.constant 0 : i32
      %dma_wait3A_71 = tpu.memref_slice %arg8[%dma_wait3A] : memref<40016xf32, #tpu.memory_space<vmem>> -> memref<40000xf32, #tpu.memory_space<vmem>>
      %dma_wait3A_72 = tpu.memref_slice %arg5[%add3A_37] : memref<1280000xf32, #tpu.memory_space<hbm>> -> memref<40000xf32, #tpu.memory_space<hbm>>
      %dma_wait3A_73 = tpu.memref_slice %arg5[%add3A_37] : memref<1280000xf32, #tpu.memory_space<hbm>> -> memref<40000xf32, #tpu.memory_space<hbm>>
      %dma_wait3A_74 = arith.constant 0 : i32
      %dma_wait3A_75 = tpu.memref_slice %arg8[%dma_wait3A_74] : memref<40016xf32, #tpu.memory_space<vmem>> -> memref<40000xf32, #tpu.memory_space<vmem>>
      tpu.wait_dma2 semaphore(%run_scoped3A : memref<!tpu.dma_semaphore, #tpu.memory_space<semaphore_mem>>) src(%dma_wait3A_75 : memref<40000xf32, #tpu.memory_space<vmem>>) dst(%dma_wait3A_73 : memref<40000xf32, #tpu.memory_space<hbm>>)
      tpu.yield
    }) : () -> ()
    "tpu.region"() ({
      %run_scoped3A = tpu.sem_alloc : memref<!tpu.dma_semaphore, #tpu.memory_space<semaphore_mem>>
      %dma_start3A_65 = arith.constant 0 : i32
      %dma_start3A_66 = tpu.memref_slice %arg9[%dma_start3A_65] : memref<40016xf32, #tpu.memory_space<vmem>> -> memref<40000xf32, #tpu.memory_space<vmem>>
      %dma_start3A_67 = tpu.memref_slice %arg6[%add3A_37] : memref<1280000xf32, #tpu.memory_space<hbm>> -> memref<40000xf32, #tpu.memory_space<hbm>>
      %dma_start3A_68 = tpu.memref_slice %arg6[%add3A_37] : memref<1280000xf32, #tpu.memory_space<hbm>> -> memref<40000xf32, #tpu.memory_space<hbm>>
      %dma_start3A_69 = arith.constant 0 : i32
      %dma_start3A_70 = tpu.memref_slice %arg9[%dma_start3A_69] : memref<40016xf32, #tpu.memory_space<vmem>> -> memref<40000xf32, #tpu.memory_space<vmem>>
      tpu.enqueue_dma source(%dma_start3A_70 : memref<40000xf32, #tpu.memory_space<vmem>>) target(%dma_start3A_68 : memref<40000xf32, #tpu.memory_space<hbm>>) target_semaphore(%run_scoped3A : memref<!tpu.dma_semaphore, #tpu.memory_space<semaphore_mem>>)
      %dma_wait3A = arith.constant 0 : i32
      %dma_wait3A_71 = tpu.memref_slice %arg9[%dma_wait3A] : memref<40016xf32, #tpu.memory_space<vmem>> -> memref<40000xf32, #tpu.memory_space<vmem>>
      %dma_wait3A_72 = tpu.memref_slice %arg6[%add3A_37] : memref<1280000xf32, #tpu.memory_space<hbm>> -> memref<40000xf32, #tpu.memory_space<hbm>>
      %dma_wait3A_73 = tpu.memref_slice %arg6[%add3A_37] : memref<1280000xf32, #tpu.memory_space<hbm>> -> memref<40000xf32, #tpu.memory_space<hbm>>
      %dma_wait3A_74 = arith.constant 0 : i32
      %dma_wait3A_75 = tpu.memref_slice %arg9[%dma_wait3A_74] : memref<40016xf32, #tpu.memory_space<vmem>> -> memref<40000xf32, #tpu.memory_space<vmem>>
      tpu.wait_dma2 semaphore(%run_scoped3A : memref<!tpu.dma_semaphore, #tpu.memory_space<semaphore_mem>>) src(%dma_wait3A_75 : memref<40000xf32, #tpu.memory_space<vmem>>) dst(%dma_wait3A_73 : memref<40000xf32, #tpu.memory_space<hbm>>)
      tpu.yield
    }) : () -> ()
    "tpu.region"() ({
      %run_scoped3A = tpu.sem_alloc : memref<!tpu.dma_semaphore, #tpu.memory_space<semaphore_mem>>
      %dma_start3A_65 = arith.constant 0 : i32
      %dma_start3A_66 = tpu.memref_slice %arg10[%dma_start3A_65] : memref<40016xf32, #tpu.memory_space<vmem>> -> memref<40000xf32, #tpu.memory_space<vmem>>
      %dma_start3A_67 = tpu.memref_slice %arg7[%add3A_37] : memref<1280000xf32, #tpu.memory_space<hbm>> -> memref<40000xf32, #tpu.memory_space<hbm>>
      %dma_start3A_68 = tpu.memref_slice %arg7[%add3A_37] : memref<1280000xf32, #tpu.memory_space<hbm>> -> memref<40000xf32, #tpu.memory_space<hbm>>
      %dma_start3A_69 = arith.constant 0 : i32
      %dma_start3A_70 = tpu.memref_slice %arg10[%dma_start3A_69] : memref<40016xf32, #tpu.memory_space<vmem>> -> memref<40000xf32, #tpu.memory_space<vmem>>
      tpu.enqueue_dma source(%dma_start3A_70 : memref<40000xf32, #tpu.memory_space<vmem>>) target(%dma_start3A_68 : memref<40000xf32, #tpu.memory_space<hbm>>) target_semaphore(%run_scoped3A : memref<!tpu.dma_semaphore, #tpu.memory_space<semaphore_mem>>)
      %dma_wait3A = arith.constant 0 : i32
      %dma_wait3A_71 = tpu.memref_slice %arg10[%dma_wait3A] : memref<40016xf32, #tpu.memory_space<vmem>> -> memref<40000xf32, #tpu.memory_space<vmem>>
      %dma_wait3A_72 = tpu.memref_slice %arg7[%add3A_37] : memref<1280000xf32, #tpu.memory_space<hbm>> -> memref<40000xf32, #tpu.memory_space<hbm>>
      %dma_wait3A_73 = tpu.memref_slice %arg7[%add3A_37] : memref<1280000xf32, #tpu.memory_space<hbm>> -> memref<40000xf32, #tpu.memory_space<hbm>>
      %dma_wait3A_74 = arith.constant 0 : i32
      %dma_wait3A_75 = tpu.memref_slice %arg10[%dma_wait3A_74] : memref<40016xf32, #tpu.memory_space<vmem>> -> memref<40000xf32, #tpu.memory_space<vmem>>
      tpu.wait_dma2 semaphore(%run_scoped3A : memref<!tpu.dma_semaphore, #tpu.memory_space<semaphore_mem>>) src(%dma_wait3A_75 : memref<40000xf32, #tpu.memory_space<vmem>>) dst(%dma_wait3A_73 : memref<40000xf32, #tpu.memory_space<hbm>>)
      tpu.yield
    }) : () -> ()
    return
  }
}

</mosaic_0001>

<sc_bundles>
// kernel: kernel.4.cloned.1.call-start
scs
__scs_entry_jumppad:
0x0: {  	(pc) =	sbr.rel $0x88, $3  }
0x1: {  	(tag) =	ssettag $0x0;
	lr =	simm.s32 $0x1  }
0x2: {  	[smem:$0x3F9E] =	sst lr;
	_ =	strace $0xD0000000  }
0x3: {  	_ = 	snop  }
0x4: {  	_ = 	snop  }
0x5: {  	_ = 	snop  }
0x6: {  	_ = 	snop  }
0x7: {  	_ = 	snop  }
__scs_overlays_trampoline_lowered:
0x8: {  	[smem:$0x3FAD] =	sst s0  }
0x9: {  	[smem:$0x3FAE] =	sst s1  }
0xa: {  	[smem:$0x3FAF] =	sst s2  }
0xb: {  	[smem:$0x3FB0] =	sst s3  }
0xc: {  	[smem:$0x3FB1] =	sst s4  }
0xd: {  	[smem:$0x3FB2] =	sst s5  }
0xe: {  	[smem:$0x3FB3] =	sst s6  }
0xf: {  	[smem:$0x3FB4] =	sst s7  }
0x10: {  	[smem:$0x3FB5] =	sst s8  }
0x11: {  	[smem:$0x3FB6] =	sst s9;
	s0 =	simm.s32 @!p0 $0x0  }
0x12: {  	s1 =	sld [smem:$0x3F9C];
	s0 =	simm.s32 @p0 $0x1  }
0x13: {  	[smem:$0x3FB7] =	sst s0;
	s0 =	simm.s32 @!p1 $0x0  }
0x14: {  	s2 =	sld [smem:$0x3F9B];
	s0 =	simm.s32 @p1 $0x1  }
0x15: {  	[smem:$0x3FB8] =	sst s0;
	s0 =	simm.s32 @!p2 $0x0  }
0x16: {  	s3 =	sld [smem:$0x3FDB];
	s0 =	simm.s32 @p2 $0x1  }
0x17: {  	s4 =	simm.s32 $0x1BF5;
	[smem:$0x3FBA] =	sst s0  }
0x18: {  	s0 =	sld [smem:$0x3F9D];
	_ =	swait.ge [sflag:s4], $0x0  }
0x19: {  	s7 =	sld [smem:$0x3F9E]  }
0x1a: {  	s8 =	sadd.s32 $0xFFFFE003, lr  }
0x1b: {  	s9 =	sadd.s32 $0xFFFFFEF7, lr;
	s5 =	simm.s32 $0xFFFFFFFF;
	p2 =	slt.u32 s8, $0xFFFFF086  }
0x1c: {  	p1 =	slt.u32 s9, $0xF7A;
	s5 =	simm.s32 @!p2 $0x0  }
0x1d: {  	s5 =	simm.s32 @p1 $0x1;
	p0 =	seq.s32 s7, s2  }
0x1e: {  	s7 =	smul.u32 @!p0 $0xF7A, s2;
	p2 =	seq.s32 @!p0 s5, $0x0  }
0x1f: {  	s9 =	smul.u32 $0xF7A, s1;
	s8 =	simm.s32 @!p0 $0x1BF5;
	p2 =	por !p2, p0  }
0x20: {  	[sflag:s8] =	ssyncset.s32 @!p0 $0xFFFFF086;
	s6 =	sadd.s32 @!p0 s3, s7;
	s7 =	simm.s32 @!p0 $0x108  }
0x21: {  	s3 =	sadd.s32 s3, s9;
	s6 =	sadd.s32 @!p0 $0x88, s6;
	s7 =	simm.s32 @p2 $0x1082  }
0x22: {  	[simem:s7], [sflag:s8] =	dma.local @!p0 [hbm:s6], $0xF7A  }
0x23: {  	s9 =	sor.u32 $0xD0000000, s2;
	s6 =	simm.s32 $0x108;
	_ =	swait.ge @!p0 [sflag:s8], $0x0  }
0x24: {  	s3 =	sadd.s32 $0x88, s3;
	s6 =	simm.s32 @!p1 $0x1082;
	[sflag:s4] =	ssyncset.s32 $0xFFFFF086  }
0x25: {  	[simem:s6], [sflag:s4] =	dma.local [hbm:s3], $0xF7A  }
0x26: {  	[smem:$0x3F9E] =	sst s1;
	(tag) =	ssettag s2;
	_ =	strace s9  }
0x27: {  	s1 =	sld [smem:$0x3FAE]  }
0x28: {  	s2 =	sld [smem:$0x3FAF]  }
0x29: {  	s4 =	sld [smem:$0x3FB1]  }
0x2a: {  	p0 =	seq.s32 s5, $0x0;
	s5 =	sld [smem:$0x3FB2]  }
0x2b: {  	s6 =	sld [smem:$0x3FB3]  }
0x2c: {  	s7 =	sld [smem:$0x3FB4]  }
0x2d: {  	s3 =	simm.s32 $0x108;
	s8 =	sld [smem:$0x3FB5]  }
0x2e: {  	s3 =	simm.s32 @!p0 $0x1082;
	s9 =	sld [smem:$0x3FB6]  }
0x2f: {  	lr =	sadd.s32 s0, s3;
	s0 =	sld [smem:$0x3FAD]  }
0x30: {  	s3 =	sld [smem:$0x3FB0]  }
0x31: {  	[smem:$0x3FB9] =	sst s10  }
0x32: {  	s10 =	sld [smem:$0x3FB7];
	_ =	sdelay $0x3  }
0x33: {  	p0 =	seq.s32 s10, $0x1;
	s10 =	sld [smem:$0x3FB9];
	_ =	sdelay $0x3  }
0x34: {  	[smem:$0x3FB9] =	sst s10  }
0x35: {  	s10 =	sld [smem:$0x3FB8];
	_ =	sdelay $0x3  }
0x36: {  	p1 =	seq.s32 s10, $0x1;
	s10 =	sld [smem:$0x3FB9];
	_ =	sdelay $0x3  }
0x37: {  	[smem:$0x3FB9] =	sst s10  }
0x38: {  	s10 =	sld [smem:$0x3FBA]  }
0x39: {  	_ = 	snop;
	(pc) =	sbr.ind lr, $3  }
0x3a: {  	_ = 	snop  }
0x3b: {  	_ = 	snop  }
0x3c: {  	p2 =	seq.s32 s10, $0x1;
	s10 =	sld [smem:$0x3FB9]  }
0x3d: {  	_ =	shalt  }
0x3e: {  	_ =	shalt  }
0x3f: {  	_ =	shalt  }
0x40: {  	_ =	shalt  }
0x41: {  	_ =	shalt  }
0x42: {  	_ =	shalt  }
0x43: {  	_ =	shalt  }
0x44: {  	_ =	shalt  }
0x45: {  	_ =	shalt  }
0x46: {  	_ =	shalt  }
0x47: {  	_ =	shalt  }
0x48: {  	_ =	shalt  }
0x49: {  	_ =	shalt  }
0x4a: {  	_ =	shalt  }
0x4b: {  	_ =	shalt  }
0x4c: {  	_ =	shalt  }
0x4d: {  	_ =	shalt  }
0x4e: {  	_ =	shalt  }
0x4f: {  	_ =	shalt  }
0x50: {  	_ =	shalt  }
0x51: {  	_ =	shalt  }
0x52: {  	_ =	shalt  }
0x53: {  	_ =	shalt  }
0x54: {  	_ =	shalt  }
0x55: {  	_ =	shalt  }
0x56: {  	_ =	shalt  }
0x57: {  	_ =	shalt  }
0x58: {  	_ =	shalt  }
0x59: {  	_ =	shalt  }
0x5a: {  	_ =	shalt  }
0x5b: {  	_ =	shalt  }
0x5c: {  	_ =	shalt  }
0x5d: {  	_ =	shalt  }
0x5e: {  	_ =	shalt  }
0x5f: {  	_ =	shalt  }
0x60: {  	_ =	shalt  }
0x61: {  	_ =	shalt  }
0x62: {  	_ =	shalt  }
0x63: {  	_ =	shalt  }
0x64: {  	_ =	shalt  }
0x65: {  	_ =	shalt  }
0x66: {  	_ =	shalt  }
0x67: {  	_ =	shalt  }
0x68: {  	_ =	shalt  }
0x69: {  	_ =	shalt  }
0x6a: {  	_ =	shalt  }
0x6b: {  	_ =	shalt  }
0x6c: {  	_ =	shalt  }
0x6d: {  	_ =	shalt  }
0x6e: {  	_ =	shalt  }
0x6f: {  	_ =	shalt  }
0x70: {  	_ =	shalt  }
0x71: {  	_ =	shalt  }
0x72: {  	_ =	shalt  }
0x73: {  	_ =	shalt  }
0x74: {  	_ =	shalt  }
0x75: {  	_ =	shalt  }
0x76: {  	_ =	shalt  }
0x77: {  	_ =	shalt  }
0x78: {  	_ =	shalt  }
0x79: {  	_ =	shalt  }
0x7a: {  	_ =	shalt  }
0x7b: {  	_ =	shalt  }
0x7c: {  	_ =	shalt  }
0x7d: {  	_ =	shalt  }
0x7e: {  	_ =	shalt  }
0x7f: {  	_ =	shalt  }
0x80: {  	_ =	shalt  }
0x81: {  	_ =	shalt  }
0x82: {  	_ =	shalt  }
0x83: {  	_ =	shalt  }
0x84: {  	_ =	shalt  }
0x85: {  	_ =	shalt  }
0x86: {  	_ =	shalt  }
0x87: {  	_ =	shalt  }
.Lfunc_end0:
.L_simem_size_0:
called_computation.2_lowered:
.L_overlay_start_0:
0x88: {  	s2 =	sld [smem:$0x3FD9]  }
0x89: {  	s3 =	sld [smem:$0x3FFE];
	_ =	sdelay $0x1  }
0x8a: {  	s1 =	srdreg.scid  }
0x8b: {  	s0 =	sand.u32 $0x1, s1  }
0x8c: {  	s15 =	sshll.u32 s0, $0xA;
	s2 =	sadd.s32 s3, s2  }
0x8d: {  	s2 =	sadd.s32 s2, s15  }
0x8e: {  	[smem:$0x3FC5] =	sst s2  }
0x8f: {  	_ = 	snop  }
0x90: {  	s2 =	sld [smem:$0x3FD0];
	_ =	sdelay $0x2  }
0x91: {  	s4 =	simm.s32 $0xB;
	s16 =	simm.s32 $0x10  }
0x92: {  	[smem:s16], [sflag:s4] =	dma.local [hbm:s2], $0x1  }
0x93: {  	_ =	swait.eq [sflag:s4], $0x1  }
0x94: {  	[sflag:s4] =	ssyncset.done $0x0  }
0x95: {  	s17 =	sld [smem:$0x12];
	[sflag:s4] =	ssyncadd.s32 $0xFFFFFFFF  }
0x96: {  	s18 =	sld [smem:$0x13];
	(tm) =	ssettm $0x1  }
0x97: {  	s19 =	sld [smem:$0x3FFB];
	_ =	sdelay $0x3  }
0x98: {  	_ =	strace s19  }
0x99: {  	s2 =	sld [smem:$0x3FFC];
	_ =	sdelay $0x3  }
0x9a: {  	_ =	strace s2  }
0x9b: {  	s2 =	sld [smem:$0x3FFD];
	_ =	sdelay $0x3  }
0x9c: {  	_ =	strace s2  }
0x9d: {  	_ =	strace $0x8FFFFFFF  }
0x9e: {  	s20 =	sld [smem:$0x3FDB];
	_ =	sdelay $0x1  }
0x9f: {  	s5 =	simm.s32 $_scs_section_size  }
0xa0: {  	s6 =	simm.s32 $_size__tile_overlayer_lowered;
	s7 =	simm.s32 $_tile_overlayer_lowered  }
0xa1: {  	s8 =	simm.s32 $0x1BFF;
	s21 =	sshll.u32 s7, $0x1;
	s5 =	sadd.s32 s5, s20  }
0xa2: {  	s22 =	simm.s32 $0x0;
	s6 =	sshll.u32 s6, $0x1;
	s7 =	sadd.s32 s21, s5  }
0xa3: {  	[timem:s22], [sflag:s8] =	dma.local [hbm:s7], s6  }
0xa4: {  	_ =	swait.ge [sflag:s8], s6  }
0xa5: {  	s6 =	ssub.s32 $0x0, s6;
	[sflag:s8] =	ssyncset.done $0x0  }
0xa6: {  	[sflag:s8] =	ssyncadd.s32 s6;
	_ =	sdelay $0x1  }
0xa7: {  	s23 =	simm.s32 $0x1B8B  }
0xa8: {  	_ =	swait.ge [sflag:s23], $0x1  }
0xa9: {  	[sflag:s23] =	ssyncset.done $0x0  }
0xaa: {  	[sflag:s23] =	ssyncadd.s32 $0xFFFFFFFF  }
0xab: {  	s6 =	sld [smem:$0x0]  }
0xac: {  	s7 =	sand.u32 $0xFFFFFFFE, s1  }
0xad: {  	p0 =	sne.s32 s1, s7  }
0xae: {  	s7 =	sshll.u32 @p0 s7, $0xE  }
0xaf: {  	s7 =	sadd.s32 @p0 $0x11B8D, s7;
	s8 =	sshll.u32 @p0 s6, $0x11  }
0xb0: {  	s7 =	sor.u32 @p0 s8, s7  }
0xb1: {  	[sflag:s7] =	ssyncadd.remote.s32 @p0 $0x1;
	_ =	sdelay $0x1  }
0xb2: {  	s7 =	simm.s32 @p0 $0x1B8D  }
0xb3: {  	_ =	swait.eq @p0 [sflag:s7], $0x1  }
0xb4: {  	[sflag:s7] =	ssyncadd.s32 @p0 $0xFFFFFFFF  }
0xb5: {  	s8 =	sshll.u32 @!p0 s1, $0xE  }
0xb6: {  	s8 =	sor.u32 @!p0 $0x4000, s8;
	s7 =	simm.s32 @!p0 $0x1B8D  }
0xb7: {  	s6 =	sshll.u32 @!p0 s6, $0x11;
	s8 =	sadd.s32 @!p0 $0x11B8D, s8;
	_ =	swait.eq @!p0 [sflag:s7], $0x1  }
0xb8: {  	s6 =	sor.u32 @!p0 s6, s8;
	[sflag:s7] =	ssyncadd.s32 @!p0 $0xFFFFFFFF  }
0xb9: {  	s25 =	simm.s32 $0x1B8E;
	s24 =	sld [smem:$0x3FFE];
	[sflag:s6] =	ssyncadd.remote.s32 @!p0 $0x1  }
0xba: {  	s26 =	simm.s32 $execute0_lowered;
	[smem:$0x3FD2] =	sst s25  }
0xbb: {  	s7 =	sshll.u32 s26, $0x1;
	_ =	strace $0x8000004F;
	[dreg:$0x1] =	wrdreg $0xFFFFFFFF  }
0xbc: {  	s28 =	simm.s32 $_size_execute0_lowered;
	s5 =	sadd.s32 s5, s7;
	[dreg:$0x0] =	wrdreg $0x0  }
0xbd: {  	s7 =	sshll.u32 s28, $0x1;
	[dreg:$0x2] =	wrdreg s5  }
0xbe: {  	[dreg:$0x3] =	wrdreg s7  }
0xbf: {  	[dreg:$0x4] =	wrdreg $0xC0  }
0xc0: {  	_ =	task [dreg:s22], $0x5FFFF  }
0xc1: {  	[dreg:$0x1] =	wrdreg $0xFFFFFFFF  }
0xc2: {  	[dreg:$0x0] =	wrdreg $0x60  }
0xc3: {  	[dreg:$0x2] =	wrdreg s24  }
0xc4: {  	[dreg:$0x3] =	wrdreg s18  }
0xc5: {  	[dreg:$0x4] =	wrdreg s17  }
0xc6: {  	[dreg:$0x5] =	wrdreg $0x9  }
0xc7: {  	_ =	task.clear_ibuf [dreg:s22], $0x6FFFF;
	_ =	strace $0x9000004F  }
0xc8: {  	s29 =	simm.s32 $0x9;
	_ =	strace $0x80000051  }
0xc9: {  	_ =	swait.ge [sflag:s29], $0x1  }
0xca: {  	[sflag:s29] =	ssyncadd.s32 $0xFFFFFFFF  }
0xcb: {  	_ =	strace $0x90000051  }
0xcc: {  	_ =	sfence  }
0xcd: {  	s30 =	sld [smem:$0x0];
	_ =	sdelay $0x2  }
0xce: {  	s31 =	sshll.u32 s1, $0xD;
	s1 =	sshrl.u32 s1, $0x2  }
0xcf: {  	s4 =	sand.u32 $0x4000, s31;
	s1 =	sadd.s32 s1, s30  }
0xd0: {  	s0 =	sor.u32 s4, s0;
	s1 =	sshll.u32 s1, $0x11  }
0xd1: {  	s0 =	sor.u32 s1, s0  }
0xd2: {  	s0 =	sadd.s32 $0x8F2B, s0  }
0xd3: {  	[sflag:s0] =	ssyncadd.remote.s32 $0x1  }
0xd4: {  	_ =	sfence.sel $0xFFFF  }
0xd5: {  	[dreg:$0x0] =	wrdreg $0xFFFFFFFF;
	(pc) =	sbr.abs _section_cstart, $3  }
0xd6: {  	[dreg:$0x1] =	wrdreg $0xFFFFFFFF  }
0xd7: {  	_ =	task.clear_ibuf [dreg:s22], $0x2FFFF;
	_ =	strace $0x9FFFFFFF  }
0xd8: {  	(tm) =	ssettm $0x7FFFFFFF  }
0xd9: {  	_ =	shalt  }
tec
execute0_lowered:
.L_overlay_start_1:
0x0: {  	(tag) =	ssettag $0x1  }
0x1: {  	s5 =	rddreg [dreg:$0x0]  }
0x2: {  	s6 =	rddreg [dreg:$0x1]  }
0x3: {  	s10 =	rddreg [dreg:$0x2]  }
0x4: {  	s2 =	srdreg.scid;
	s0 =	rddreg [dreg:$0x3]  }
0x5: {  	s1 =	stileid.u32;
	s15 =	simm.s32 $0x9C80;
	s16 =	simm.s32 $0x13900  }
0x6: {  	s17 =	simm.s32 $0x1D580;
	s18 =	simm.s32 $0x1E580;
	s19 =	simm.s32 $0x1DD80  }
0x7: {  	s21 =	simm.s32 $0x1;
	s22 =	simm.s32 $0x2;
	s23 =	simm.s32 $0x3  }
0x8: {  	s24 =	simm.s32 $0x4;
	s25 =	simm.s32 $0x0;
	s4 =	sand.u32 $0x1, s2  }
0x9: {  	s7 =	sshrl.u32 s1, $0x2;
	s8 =	sand.u32 $0x3, s1;
	s3 =	sshll.u32 s4, $0x2  }
0xa: {  	s2 =	simm.s32 $0x0;
	s20 =	smul.u32 $0x9C40, s8;
	s7 =	sor.u32 s7, s3  }
0xb: {  	[smem:$0x7FF] =	sst s2;
	s9 =	ssub.s32 $0x2, s4;
	s29 =	smul.u32 $0x27100, s7  }
0xc: {  	s4 =	sadd.s32 $0x4E5C00, s5;
	s30 =	sshrl.u32 s9, $0x1;
	s11 =	smul.u32 $0x4E2000, s7  }
0xd: {  	_ =	strace $0x80000050;
	s3 =	sadd.s32 $0x3C00, s5;
	s14 =	ssub.s32 s9, s30  }
0xe: {  	s8 =	sadd.s32 s20, s29;
	s31 =	sshrl.u32 s11, $0x3;
	s9 =	sor.u32 $0x1000, s11  }
0xf: {  	v0 =	vmov s20;
	s20 =	simm.s32 $0x1ED80;
	s12 =	sshrl.u32 s8, $0x3;
	s7 =	sadd.s32 s4, s31  }
0x10: {  	s8 =	sor.u32 $0x800, s11;
	s13 =	sadd.s32 s12, s5;
	s5 =	sadd.s32 s6, s12  }
0x11: {  	v1 =	vlaneseq.u32;
	s6 =	sadd.s32 s3, s31;
	s10 =	sadd.s32 s10, s12;
	s11 =	sadd.s32 $0xA3D600, s13  }
0x12: {  	v0 =	vsub.s32 v1, v0;
	v1 =	vor.u32 $0x9C40, v1;
	s12 =	sadd.s32 $0xA64800, s13;
	s13 =	smax.u32 s14, $0x1;
	s14 =	simm.s32 $0x5  }
.LBB2_1:
0x13: {  	[tilespmem:s2], [sflag:$0x5] =	stream.linear.gather [hbm4b:s5+s2], $0x9C40, $0x38;
	[tilespmem:$0x1F580] =	vst v63  }
0x14: {  	_ =	swait.ge [sflag:s14], $0x9C40  }
0x15: {  	[sflag:s14] =	ssyncset.done $0x0  }
0x16: {  	[sflag:s14] =	ssyncadd.s32 $0xFFFF63C0  }
0x17: {  	[tilespmem:s15], [sflag:$0x5] =	stream.linear.gather [hbm4b:s5+s2], $0x9C40, $0x38;
	[tilespmem:$0x1F580] =	vst v63  }
0x18: {  	_ =	swait.ge [sflag:s14], $0x9C40  }
0x19: {  	[sflag:s14] =	ssyncset.done $0x0  }
0x1a: {  	[sflag:s14] =	ssyncadd.s32 $0xFFFF63C0  }
0x1b: {  	[tilespmem:s16], [sflag:$0x5] =	stream.linear.gather [hbm4b:s5+s2], $0x9C40, $0x38;
	[tilespmem:$0x1F580] =	vst v63  }
0x1c: {  	_ =	swait.ge [sflag:s14], $0x9C40  }
0x1d: {  	[sflag:s14] =	ssyncset.done $0x0  }
0x1e: {  	[sflag:s14] =	ssyncadd.s32 $0xFFFF63C0  }
0x1f: {  	[tilespmem:s17], [sflag:$0x1] =	stream.linear.gather [hbm4b:s6+s2], $0x800, $0x38;
	[tilespmem:$0x1F580] =	vst v63  }
0x20: {  	s26 =	simm.s32 $0x0  }
0x21: {  	[tilespmem:s18], [sflag:$0x2] =	stream.linear.gather [hbm4b:s7+s2], $0x800, $0x38;
	[tilespmem:$0x1F580] =	vst v63  }
.LBB2_2:
0x22: {  	s28 =	sshll.u32 s26, $0xC  }
0x23: {  	s29 =	sadd.s32 s28, s8  }
0x24: {  	s29 =	sshrl.u32 s29, $0x3  }
0x25: {  	s31 =	simm.s32 $0x0;
	s30 =	sadd.s32 s3, s29  }
0x26: {  	[tilespmem:s19], [sflag:$0x3] =	stream.linear.gather [hbm4b:s30+s31], $0x800, $0x38;
	[tilespmem:$0x1F580] =	vst v63  }
0x27: {  	s29 =	sadd.s32 s4, s29  }
0x28: {  	[tilespmem:s20], [sflag:$0x4] =	stream.linear.gather [hbm4b:s29+s31], $0x800, $0x38;
	[tilespmem:$0x1F580] =	vst v63  }
0x29: {  	_ =	swait.ge [sflag:s21], $0x800  }
0x2a: {  	[sflag:s21] =	ssyncset.done $0x0  }
0x2b: {  	[sflag:s21] =	ssyncadd.s32 $0xFFFFF800  }
0x2c: {  	_ =	swait.ge [sflag:s22], $0x800  }
0x2d: {  	[sflag:s22] =	ssyncset.done $0x0  }
0x2e: {  	[sflag:s22] =	ssyncadd.s32 $0xFFFFF800  }
0x2f: {  	v2 =	vld [tilespmem:$0x1E580];
	_ =	sdelay $0x4  }
0x30: {  	v2 =	vshll.u32 v2, $0x4  }
0x31: {  	v2 =	vadd.s32 v0, v2  }
0x32: {  	v3 =	vmin.u32 v2, v1;
	_ =	sdelay $0x2  }
0x33: {  	v2 =	vld [tilespmem:$0x1E590]  }
0x34: {  	v6 =	vld [tilespmem:$0x1D580]  }
0x35: {  	v8 =	vld.idx.msk [tilespmem:v3+s16+$0x0], $0xffff  }
0x36: {  	v9 =	vld.idx.msk [tilespmem:v3+s2+$0x0], $0xffff  }
0x37: {  	v10 =	vld.idx.msk [tilespmem:v3+s15+$0x0], $0xffff  }
0x38: {  	s29 =	simm.s32 $0x0;
	v7 =	vld [tilespmem:$0x1D590];
	v4 =	vshll.u32 v2, $0x4  }
0x39: {  	v11 =	vld [tilespmem:s29+$0x1E5B0];
	v4 =	vadd.s32 v0, v4  }
0x3a: {  	v5 =	vld [tilespmem:s29+$0x1D5A0];
	v4 =	vmin.u32 v4, v1  }
0x3b: {  	v12 =	vld [tilespmem:s29+$0x1E5A0];
	v9 =	vmax.f32 v9, v6  }
0x3c: {  	v2 =	vld [tilespmem:s29+$0x1D5B0];
	[tilespmem:v3+s2+$0x0] =	vst.idx.msk $0xffff, v9;
	v9 =	vmin.f32 v10, v6;
	v6 =	vmul.f32 v8, v6  }
0x3d: {  	[tilespmem:v3+s15+$0x0] =	vst.idx.msk $0xffff, v9  }
0x3e: {  	[tilespmem:v3+s16+$0x0] =	vst.idx.msk $0xffff, v6  }
0x3f: {  	v8 =	vld.idx.msk [tilespmem:v4+s15+$0x0], $0xffff  }
0x40: {  	v9 =	vld.idx.msk [tilespmem:v4+s2+$0x0], $0xffff  }
0x41: {  	v10 =	vld.idx.msk [tilespmem:v4+s16+$0x0], $0xffff  }
0x42: {  	v6 =	vshll.u32 v12, $0x4  }
0x43: {  	v3 =	vshll.u32 v11, $0x4;
	v6 =	vadd.s32 v0, v6  }
0x44: {  	v3 =	vadd.s32 v0, v3;
	v6 =	vmin.u32 v6, v1  }
0x45: {  	v3 =	vmin.u32 v3, v1;
	v9 =	vmax.f32 v9, v7  }
0x46: {  	s29 =	simm.s32 $0x80;
	v8 =	vmin.f32 v8, v7;
	v7 =	vmul.f32 v10, v7;
	[tilespmem:v4+s2+$0x0] =	vst.idx.msk $0xffff, v9  }
.LBB2_3:
0x47: {  	p0 =	sne.s32 s29, $0x1F00;
	[tilespmem:v4+s15+$0x0] =	vst.idx.msk $0xffff, v8;
	v9 =	vmov v2;
	v8 =	vmov v5;
	s30 =	smov.u32 s29;
	s29 =	sadd.s32 $0x80, s29  }
0x48: {  	[tilespmem:v4+s16+$0x0] =	vst.idx.msk $0xffff, v7;
	v4 =	vmov v3  }
0x49: {  	v7 =	vld.idx.msk [tilespmem:v6+s16+$0x0], $0xffff  }
0x4a: {  	v10 =	vld.idx.msk [tilespmem:v6+s2+$0x0], $0xffff  }
0x4b: {  	v11 =	vld.idx.msk [tilespmem:v6+s15+$0x0], $0xffff  }
0x4c: {  	s30 =	sshra.s32 s30, $0x2  }
0x4d: {  	v2 =	vld [tilespmem:s30+$0x1D5B0]  }
0x4e: {  	v12 =	vld [tilespmem:s30+$0x1E5B0]  }
0x4f: {  	v5 =	vld [tilespmem:s30+$0x1D5A0]  }
0x50: {  	v10 =	vmax.f32 v10, v8;
	v13 =	vld [tilespmem:s30+$0x1E5A0]  }
0x51: {  	v7 =	vmul.f32 v7, v8;
	[tilespmem:v6+s2+$0x0] =	vst.idx.msk $0xffff, v10;
	v10 =	vmin.f32 v11, v8  }
0x52: {  	[tilespmem:v6+s15+$0x0] =	vst.idx.msk $0xffff, v10  }
0x53: {  	v8 =	vshll.u32 v12, $0x4;
	[tilespmem:v6+s16+$0x0] =	vst.idx.msk $0xffff, v7  }
0x54: {  	v6 =	vadd.s32 v0, v8;
	v7 =	vld.idx.msk [tilespmem:v3+s15+$0x0], $0xffff  }
0x55: {  	v8 =	vshll.u32 v13, $0x4;
	v3 =	vmin.u32 v6, v1;
	v10 =	vld.idx.msk [tilespmem:v4+s2+$0x0], $0xffff  }
0x56: {  	v6 =	vadd.s32 v0, v8;
	v11 =	vld.idx.msk [tilespmem:v4+s16+$0x0], $0xffff  }
0x57: {  	v6 =	vmin.u32 v6, v1  }
.Ltmp0:
0x58: {  	(pc) =	sbr.rel @p0 .LBB2_3-.Ltmp0, $3  }
0x59: {  	_ =	sdelay $0x1  }
0x5a: {  	v8 =	vmax.f32 v10, v9  }
0x5b: {  	[tilespmem:v4+s2+$0x0] =	vst.idx.msk $0xffff, v8;
	v8 =	vmin.f32 v7, v9;
	v7 =	vmul.f32 v11, v9  }
0x5c: {  	_ =	sdelay $0x3  }
0x5d: {  	[tilespmem:v4+s15+$0x0] =	vst.idx.msk $0xffff, v8  }
0x5e: {  	[tilespmem:v4+s16+$0x0] =	vst.idx.msk $0xffff, v7  }
0x5f: {  	v4 =	vld.idx.msk [tilespmem:v6+s2+$0x0], $0xffff  }
0x60: {  	v7 =	vld.idx.msk [tilespmem:v6+s15+$0x0], $0xffff  }
0x61: {  	v8 =	vld.idx.msk [tilespmem:v6+s16+$0x0], $0xffff;
	_ =	sdelay $0x3  }
0x62: {  	v4 =	vmax.f32 v4, v5  }
0x63: {  	[tilespmem:v6+s2+$0x0] =	vst.idx.msk $0xffff, v4;
	v4 =	vmin.f32 v7, v5;
	v5 =	vmul.f32 v8, v5  }
0x64: {  	[tilespmem:v6+s15+$0x0] =	vst.idx.msk $0xffff, v4  }
0x65: {  	[tilespmem:v6+s16+$0x0] =	vst.idx.msk $0xffff, v5  }
0x66: {  	v4 =	vld.idx.msk [tilespmem:v3+s2+$0x0], $0xffff  }
0x67: {  	v5 =	vld.idx.msk [tilespmem:v3+s15+$0x0], $0xffff  }
0x68: {  	v6 =	vld.idx.msk [tilespmem:v3+s16+$0x0], $0xffff;
	_ =	sdelay $0x3  }
0x69: {  	p0 =	seq.s32 s26, $0x4E1;
	v4 =	vmax.f32 v4, v2  }
0x6a: {  	s28 =	sadd.s32 @!p0 s28, s9;
	[tilespmem:v3+s2+$0x0] =	vst.idx.msk $0xffff, v4;
	v4 =	vmin.f32 v5, v2;
	v2 =	vmul.f32 v6, v2  }
0x6b: {  	s28 =	sshrl.u32 @!p0 s28, $0x3;
	[tilespmem:v3+s15+$0x0] =	vst.idx.msk $0xffff, v4  }
0x6c: {  	s30 =	simm.s32 @!p0 $0x0;
	s31 =	simm.s32 @!p0 $0x1D580;
	s29 =	sadd.s32 @!p0 s3, s28;
	[tilespmem:v3+s16+$0x0] =	vst.idx.msk $0xffff, v2  }
0x6d: {  	[tilespmem:s31], [sflag:$0x1] =	stream.linear.gather @!p0 [hbm4b:s29+s30], $0x800, $0x38;
	[tilespmem:$0x1F580] =	vst v63  }
0x6e: {  	s28 =	sadd.s32 @!p0 s4, s28;
	s29 =	simm.s32 @!p0 $0x1E580  }
0x6f: {  	[tilespmem:s29], [sflag:$0x2] =	stream.linear.gather @!p0 [hbm4b:s28+s30], $0x800, $0x38;
	[tilespmem:$0x1F580] =	vst v63  }
0x70: {  	_ =	swait.ge [sflag:s23], $0x800  }
0x71: {  	[sflag:s23] =	ssyncset.done $0x0  }
0x72: {  	[sflag:s23] =	ssyncadd.s32 $0xFFFFF800  }
0x73: {  	_ =	swait.ge [sflag:s24], $0x800  }
0x74: {  	[sflag:s24] =	ssyncset.done $0x0  }
0x75: {  	[sflag:s24] =	ssyncadd.s32 $0xFFFFF800  }
0x76: {  	v2 =	vld [tilespmem:$0x1ED80];
	_ =	sdelay $0x4  }
0x77: {  	v2 =	vshll.u32 v2, $0x4  }
0x78: {  	v2 =	vadd.s32 v0, v2  }
0x79: {  	v3 =	vmin.u32 v2, v1;
	_ =	sdelay $0x2  }
0x7a: {  	v2 =	vld [tilespmem:$0x1ED90]  }
0x7b: {  	v6 =	vld [tilespmem:$0x1DD80]  }
0x7c: {  	v8 =	vld.idx.msk [tilespmem:v3+s16+$0x0], $0xffff  }
0x7d: {  	v9 =	vld.idx.msk [tilespmem:v3+s2+$0x0], $0xffff  }
0x7e: {  	v10 =	vld.idx.msk [tilespmem:v3+s15+$0x0], $0xffff  }
0x7f: {  	s28 =	simm.s32 $0x0;
	v7 =	vld [tilespmem:$0x1DD90];
	v4 =	vshll.u32 v2, $0x4  }
0x80: {  	v11 =	vld [tilespmem:s28+$0x1EDB0];
	v4 =	vadd.s32 v0, v4  }
0x81: {  	v5 =	vld [tilespmem:s28+$0x1DDA0];
	v4 =	vmin.u32 v4, v1  }
0x82: {  	v12 =	vld [tilespmem:s28+$0x1EDA0];
	v9 =	vmax.f32 v9, v6  }
0x83: {  	v2 =	vld [tilespmem:s28+$0x1DDB0];
	[tilespmem:v3+s2+$0x0] =	vst.idx.msk $0xffff, v9;
	v9 =	vmin.f32 v10, v6;
	v6 =	vmul.f32 v8, v6  }
0x84: {  	[tilespmem:v3+s15+$0x0] =	vst.idx.msk $0xffff, v9  }
0x85: {  	[tilespmem:v3+s16+$0x0] =	vst.idx.msk $0xffff, v6  }
0x86: {  	v8 =	vld.idx.msk [tilespmem:v4+s15+$0x0], $0xffff  }
0x87: {  	v9 =	vld.idx.msk [tilespmem:v4+s2+$0x0], $0xffff  }
0x88: {  	v10 =	vld.idx.msk [tilespmem:v4+s16+$0x0], $0xffff  }
0x89: {  	v6 =	vshll.u32 v12, $0x4  }
0x8a: {  	v3 =	vshll.u32 v11, $0x4;
	v6 =	vadd.s32 v0, v6  }
0x8b: {  	v3 =	vadd.s32 v0, v3;
	v6 =	vmin.u32 v6, v1  }
0x8c: {  	v3 =	vmin.u32 v3, v1;
	v9 =	vmax.f32 v9, v7  }
0x8d: {  	s28 =	simm.s32 $0x80;
	v8 =	vmin.f32 v8, v7;
	v7 =	vmul.f32 v10, v7;
	[tilespmem:v4+s2+$0x0] =	vst.idx.msk $0xffff, v9  }
.LBB2_5:
0x8e: {  	p0 =	sne.s32 s28, $0x1F00;
	[tilespmem:v4+s15+$0x0] =	vst.idx.msk $0xffff, v8;
	v9 =	vmov v2;
	v8 =	vmov v5;
	s29 =	smov.u32 s28;
	s28 =	sadd.s32 $0x80, s28  }
0x8f: {  	[tilespmem:v4+s16+$0x0] =	vst.idx.msk $0xffff, v7;
	v4 =	vmov v3  }
0x90: {  	v7 =	vld.idx.msk [tilespmem:v6+s16+$0x0], $0xffff  }
0x91: {  	v10 =	vld.idx.msk [tilespmem:v6+s2+$0x0], $0xffff  }
0x92: {  	v11 =	vld.idx.msk [tilespmem:v6+s15+$0x0], $0xffff  }
0x93: {  	s29 =	sshra.s32 s29, $0x2  }
0x94: {  	v2 =	vld [tilespmem:s29+$0x1DDB0]  }
0x95: {  	v12 =	vld [tilespmem:s29+$0x1EDB0]  }
0x96: {  	v5 =	vld [tilespmem:s29+$0x1DDA0]  }
0x97: {  	v10 =	vmax.f32 v10, v8;
	v13 =	vld [tilespmem:s29+$0x1EDA0]  }
0x98: {  	v7 =	vmul.f32 v7, v8;
	[tilespmem:v6+s2+$0x0] =	vst.idx.msk $0xffff, v10;
	v10 =	vmin.f32 v11, v8  }
0x99: {  	[tilespmem:v6+s15+$0x0] =	vst.idx.msk $0xffff, v10  }
0x9a: {  	v8 =	vshll.u32 v12, $0x4;
	[tilespmem:v6+s16+$0x0] =	vst.idx.msk $0xffff, v7  }
0x9b: {  	v6 =	vadd.s32 v0, v8;
	v7 =	vld.idx.msk [tilespmem:v3+s15+$0x0], $0xffff  }
0x9c: {  	v8 =	vshll.u32 v13, $0x4;
	v3 =	vmin.u32 v6, v1;
	v10 =	vld.idx.msk [tilespmem:v4+s2+$0x0], $0xffff  }
0x9d: {  	v6 =	vadd.s32 v0, v8;
	v11 =	vld.idx.msk [tilespmem:v4+s16+$0x0], $0xffff  }
0x9e: {  	v6 =	vmin.u32 v6, v1  }
.Ltmp1:
0x9f: {  	(pc) =	sbr.rel @p0 .LBB2_5-.Ltmp1, $3  }
0xa0: {  	_ =	sdelay $0x1  }
0xa1: {  	v8 =	vmax.f32 v10, v9  }
0xa2: {  	[tilespmem:v4+s2+$0x0] =	vst.idx.msk $0xffff, v8;
	v8 =	vmin.f32 v7, v9;
	v7 =	vmul.f32 v11, v9  }
0xa3: {  	_ =	sdelay $0x3  }
0xa4: {  	[tilespmem:v4+s15+$0x0] =	vst.idx.msk $0xffff, v8  }
0xa5: {  	[tilespmem:v4+s16+$0x0] =	vst.idx.msk $0xffff, v7  }
0xa6: {  	v4 =	vld.idx.msk [tilespmem:v6+s2+$0x0], $0xffff  }
0xa7: {  	v7 =	vld.idx.msk [tilespmem:v6+s15+$0x0], $0xffff  }
0xa8: {  	v8 =	vld.idx.msk [tilespmem:v6+s16+$0x0], $0xffff;
	_ =	sdelay $0x3  }
0xa9: {  	v4 =	vmax.f32 v4, v5  }
0xaa: {  	v61 =	vmin.f32 v7, v5;
	v62 =	vmul.f32 v8, v5;
	[tilespmem:v6+s2+$0x0] =	vst.idx.msk $0xffff, v4  }
0xab: {  	[tilespmem:v6+s15+$0x0] =	vst.idx.msk $0xffff, v61  }
0xac: {  	[tilespmem:v6+s16+$0x0] =	vst.idx.msk $0xffff, v62  }
0xad: {  	v4 =	vld.idx.msk [tilespmem:v3+s2+$0x0], $0xffff  }
0xae: {  	v5 =	vld.idx.msk [tilespmem:v3+s15+$0x0], $0xffff  }
0xaf: {  	v6 =	vld.idx.msk [tilespmem:v3+s16+$0x0], $0xffff  }
0xb0: {  	s26 =	sadd.s32 $0x1, s26  }
0xb1: {  	p0 =	sne.s32 s26, $0x4E2  }
.Ltmp2:
0xb2: {  	_ = 	snop;
	(pc) =	sbr.rel @p0 .LBB2_2-.Ltmp2, $4  }
0xb3: {  	v4 =	vmax.f32 v4, v2  }
0xb4: {  	v63 =	vmin.f32 v5, v2;
	v2 =	vmul.f32 v6, v2;
	[tilespmem:v3+s2+$0x0] =	vst.idx.msk $0xffff, v4  }
0xb5: {  	[tilespmem:v3+s15+$0x0] =	vst.idx.msk $0xffff, v63  }
0xb6: {  	[tilespmem:v3+s16+$0x0] =	vst.idx.msk $0xffff, v2  }
0xb7: {  	[hbm4b:s10+s2] =	stream.linear.scatter [tilespmem:s2], [sflag:$0x5], $0x9C40, $0x38;
	[tilespmem:$0x1F580] =	vst v63  }
0xb8: {  	_ =	swait.ge [sflag:s14], $0x9C40  }
0xb9: {  	[sflag:s14] =	ssyncset.done $0x0  }
0xba: {  	[sflag:s14] =	ssyncadd.s32 $0xFFFF63C0  }
0xbb: {  	[hbm4b:s11+s2] =	stream.linear.scatter [tilespmem:s15], [sflag:$0x5], $0x9C40, $0x38;
	[tilespmem:$0x1F580] =	vst v63  }
0xbc: {  	s25 =	sadd.s32 $0x1, s25;
	_ =	swait.ge [sflag:s14], $0x9C40  }
0xbd: {  	p0 =	sne.s32 s25, s13;
	[sflag:s14] =	ssyncset.done $0x0  }
.Ltmp3:
0xbe: {  	[sflag:s14] =	ssyncadd.s32 $0xFFFF63C0;
	(pc) =	sbr.rel @p0 .LBB2_1-.Ltmp3, $4  }
0xbf: {  	[hbm4b:s12+s2] =	stream.linear.scatter [tilespmem:s16], [sflag:$0x5], $0x9C40, $0x38;
	[tilespmem:$0x1F580] =	vst v63  }
0xc0: {  	_ =	swait.ge [sflag:s14], $0x9C40  }
0xc1: {  	[sflag:s14] =	ssyncset.done $0x0  }
0xc2: {  	[sflag:s14] =	ssyncadd.s32 $0xFFFF63C0  }
0xc3: {  	_ =	sfence.sel $0x180000  }
0xc4: {  	[bflag:$0x0] =	sbarrier.arrive $0xFFFF  }
0xc5: {  	p0 =	sne.s32 s1, $0x0;
	_ =	strace $0x90000050  }
0xc6: {  	s0 =	sadd.s32 @!p0 $0x100000, s0;
	[bflag:$0x2] =	sbarrier.arrive $0xFFFF  }
0xc7: {  	[sflag:s0] =	ssyncadd.tile.s32 @!p0 $0x1;
	_ =	shalt  }
.Lfunc_end2:
_tile_overlayer_lowered:
.L_overlay_start_2:
0xc8: {  	(tag) =	ssettag $0x2  }
0xc9: {  	s0 =	rddreg [dreg:$0x0];
	s2 =	stileid.u32  }
0xca: {  	s1 =	rddreg [dreg:$0x1];
	p0 =	sne.s32 s2, $0x0  }
0xcb: {  	s3 =	rddreg [dreg:$0x2];
	[bflag:$0x3] =	sbarrier.arrive $0xFFFF;
	s2 =	simm.s32 @!p0 $0x1C05  }
0xcc: {  	[timem:s3], [sflag:s2] =	dma.local @!p0 [hbm:s0], s1  }
0xcd: {  	s0 =	simm.s32 @!p0 $0x5  }
0xce: {  	_ =	swait.ge @!p0 [sflag:s0], s1  }
0xcf: {  	s1 =	ssub.s32 @!p0 $0x0, s1;
	[sflag:s0] =	ssyncset.done @!p0 $0x0  }
0xd0: {  	[sflag:s0] =	ssyncadd.s32 @!p0 s1  }
0xd1: {  	[bflag:$0x3] =	sbarrier.arrive $0xFFFF  }
0xd2: {  	_ =	shalt  }

// kernel: kernel.7.cloned.1.call-start
scs
__scs_entry_jumppad:
0x0: {  	(pc) =	sbr.rel $0x88, $3  }
0x1: {  	(tag) =	ssettag $0x0;
	lr =	simm.s32 $0x1  }
0x2: {  	[smem:$0x3F9E] =	sst lr;
	_ =	strace $0xD0000000  }
0x3: {  	_ = 	snop  }
0x4: {  	_ = 	snop  }
0x5: {  	_ = 	snop  }
0x6: {  	_ = 	snop  }
0x7: {  	_ = 	snop  }
__scs_overlays_trampoline_lowered:
0x8: {  	[smem:$0x3FAD] =	sst s0  }
0x9: {  	[smem:$0x3FAE] =	sst s1  }
0xa: {  	[smem:$0x3FAF] =	sst s2  }
0xb: {  	[smem:$0x3FB0] =	sst s3  }
0xc: {  	[smem:$0x3FB1] =	sst s4  }
0xd: {  	[smem:$0x3FB2] =	sst s5  }
0xe: {  	[smem:$0x3FB3] =	sst s6  }
0xf: {  	[smem:$0x3FB4] =	sst s7  }
0x10: {  	[smem:$0x3FB5] =	sst s8  }
0x11: {  	[smem:$0x3FB6] =	sst s9;
	s0 =	simm.s32 @!p0 $0x0  }
0x12: {  	s1 =	sld [smem:$0x3F9C];
	s0 =	simm.s32 @p0 $0x1  }
0x13: {  	[smem:$0x3FB7] =	sst s0;
	s0 =	simm.s32 @!p1 $0x0  }
0x14: {  	s2 =	sld [smem:$0x3F9B];
	s0 =	simm.s32 @p1 $0x1  }
0x15: {  	[smem:$0x3FB8] =	sst s0;
	s0 =	simm.s32 @!p2 $0x0  }
0x16: {  	s3 =	sld [smem:$0x3FDB];
	s0 =	simm.s32 @p2 $0x1  }
0x17: {  	s4 =	simm.s32 $0x1BF5;
	[smem:$0x3FBA] =	sst s0  }
0x18: {  	s0 =	sld [smem:$0x3F9D];
	_ =	swait.ge [sflag:s4], $0x0  }
0x19: {  	s7 =	sld [smem:$0x3F9E]  }
0x1a: {  	s8 =	sadd.s32 $0xFFFFE003, lr  }
0x1b: {  	s9 =	sadd.s32 $0xFFFFFEF7, lr;
	s5 =	simm.s32 $0xFFFFFFFF;
	p2 =	slt.u32 s8, $0xFFFFF086  }
0x1c: {  	p1 =	slt.u32 s9, $0xF7A;
	s5 =	simm.s32 @!p2 $0x0  }
0x1d: {  	s5 =	simm.s32 @p1 $0x1;
	p0 =	seq.s32 s7, s2  }
0x1e: {  	s7 =	smul.u32 @!p0 $0xF7A, s2;
	p2 =	seq.s32 @!p0 s5, $0x0  }
0x1f: {  	s9 =	smul.u32 $0xF7A, s1;
	s8 =	simm.s32 @!p0 $0x1BF5;
	p2 =	por !p2, p0  }
0x20: {  	[sflag:s8] =	ssyncset.s32 @!p0 $0xFFFFF086;
	s6 =	sadd.s32 @!p0 s3, s7;
	s7 =	simm.s32 @!p0 $0x108  }
0x21: {  	s3 =	sadd.s32 s3, s9;
	s6 =	sadd.s32 @!p0 $0x88, s6;
	s7 =	simm.s32 @p2 $0x1082  }
0x22: {  	[simem:s7], [sflag:s8] =	dma.local @!p0 [hbm:s6], $0xF7A  }
0x23: {  	s9 =	sor.u32 $0xD0000000, s2;
	s6 =	simm.s32 $0x108;
	_ =	swait.ge @!p0 [sflag:s8], $0x0  }
0x24: {  	s3 =	sadd.s32 $0x88, s3;
	s6 =	simm.s32 @!p1 $0x1082;
	[sflag:s4] =	ssyncset.s32 $0xFFFFF086  }
0x25: {  	[simem:s6], [sflag:s4] =	dma.local [hbm:s3], $0xF7A  }
0x26: {  	[smem:$0x3F9E] =	sst s1;
	(tag) =	ssettag s2;
	_ =	strace s9  }
0x27: {  	s1 =	sld [smem:$0x3FAE]  }
0x28: {  	s2 =	sld [smem:$0x3FAF]  }
0x29: {  	s4 =	sld [smem:$0x3FB1]  }
0x2a: {  	p0 =	seq.s32 s5, $0x0;
	s5 =	sld [smem:$0x3FB2]  }
0x2b: {  	s6 =	sld [smem:$0x3FB3]  }
0x2c: {  	s7 =	sld [smem:$0x3FB4]  }
0x2d: {  	s3 =	simm.s32 $0x108;
	s8 =	sld [smem:$0x3FB5]  }
0x2e: {  	s3 =	simm.s32 @!p0 $0x1082;
	s9 =	sld [smem:$0x3FB6]  }
0x2f: {  	lr =	sadd.s32 s0, s3;
	s0 =	sld [smem:$0x3FAD]  }
0x30: {  	s3 =	sld [smem:$0x3FB0]  }
0x31: {  	[smem:$0x3FB9] =	sst s10  }
0x32: {  	s10 =	sld [smem:$0x3FB7];
	_ =	sdelay $0x3  }
0x33: {  	p0 =	seq.s32 s10, $0x1;
	s10 =	sld [smem:$0x3FB9];
	_ =	sdelay $0x3  }
0x34: {  	[smem:$0x3FB9] =	sst s10  }
0x35: {  	s10 =	sld [smem:$0x3FB8];
	_ =	sdelay $0x3  }
0x36: {  	p1 =	seq.s32 s10, $0x1;
	s10 =	sld [smem:$0x3FB9];
	_ =	sdelay $0x3  }
0x37: {  	[smem:$0x3FB9] =	sst s10  }
0x38: {  	s10 =	sld [smem:$0x3FBA]  }
0x39: {  	_ = 	snop;
	(pc) =	sbr.ind lr, $3  }
0x3a: {  	_ = 	snop  }
0x3b: {  	_ = 	snop  }
0x3c: {  	p2 =	seq.s32 s10, $0x1;
	s10 =	sld [smem:$0x3FB9]  }
0x3d: {  	_ =	shalt  }
0x3e: {  	_ =	shalt  }
0x3f: {  	_ =	shalt  }
0x40: {  	_ =	shalt  }
0x41: {  	_ =	shalt  }
0x42: {  	_ =	shalt  }
0x43: {  	_ =	shalt  }
0x44: {  	_ =	shalt  }
0x45: {  	_ =	shalt  }
0x46: {  	_ =	shalt  }
0x47: {  	_ =	shalt  }
0x48: {  	_ =	shalt  }
0x49: {  	_ =	shalt  }
0x4a: {  	_ =	shalt  }
0x4b: {  	_ =	shalt  }
0x4c: {  	_ =	shalt  }
0x4d: {  	_ =	shalt  }
0x4e: {  	_ =	shalt  }
0x4f: {  	_ =	shalt  }
0x50: {  	_ =	shalt  }
0x51: {  	_ =	shalt  }
0x52: {  	_ =	shalt  }
0x53: {  	_ =	shalt  }
0x54: {  	_ =	shalt  }
0x55: {  	_ =	shalt  }
0x56: {  	_ =	shalt  }
0x57: {  	_ =	shalt  }
0x58: {  	_ =	shalt  }
0x59: {  	_ =	shalt  }
0x5a: {  	_ =	shalt  }
0x5b: {  	_ =	shalt  }
0x5c: {  	_ =	shalt  }
0x5d: {  	_ =	shalt  }
0x5e: {  	_ =	shalt  }
0x5f: {  	_ =	shalt  }
0x60: {  	_ =	shalt  }
0x61: {  	_ =	shalt  }
0x62: {  	_ =	shalt  }
0x63: {  	_ =	shalt  }
0x64: {  	_ =	shalt  }
0x65: {  	_ =	shalt  }
0x66: {  	_ =	shalt  }
0x67: {  	_ =	shalt  }
0x68: {  	_ =	shalt  }
0x69: {  	_ =	shalt  }
0x6a: {  	_ =	shalt  }
0x6b: {  	_ =	shalt  }
0x6c: {  	_ =	shalt  }
0x6d: {  	_ =	shalt  }
0x6e: {  	_ =	shalt  }
0x6f: {  	_ =	shalt  }
0x70: {  	_ =	shalt  }
0x71: {  	_ =	shalt  }
0x72: {  	_ =	shalt  }
0x73: {  	_ =	shalt  }
0x74: {  	_ =	shalt  }
0x75: {  	_ =	shalt  }
0x76: {  	_ =	shalt  }
0x77: {  	_ =	shalt  }
0x78: {  	_ =	shalt  }
0x79: {  	_ =	shalt  }
0x7a: {  	_ =	shalt  }
0x7b: {  	_ =	shalt  }
0x7c: {  	_ =	shalt  }
0x7d: {  	_ =	shalt  }
0x7e: {  	_ =	shalt  }
0x7f: {  	_ =	shalt  }
0x80: {  	_ =	shalt  }
0x81: {  	_ =	shalt  }
0x82: {  	_ =	shalt  }
0x83: {  	_ =	shalt  }
0x84: {  	_ =	shalt  }
0x85: {  	_ =	shalt  }
0x86: {  	_ =	shalt  }
0x87: {  	_ =	shalt  }
.Lfunc_end0:
.L_simem_size_0:
called_computation.3_lowered:
.L_overlay_start_0:
0x88: {  	s2 =	sld [smem:$0x3FD9]  }
0x89: {  	s3 =	sld [smem:$0x3FFE];
	_ =	sdelay $0x1  }
0x8a: {  	s1 =	srdreg.scid  }
0x8b: {  	s0 =	sand.u32 $0x1, s1  }
0x8c: {  	s16 =	sshll.u32 s0, $0xA;
	s2 =	sadd.s32 s3, s2  }
0x8d: {  	s2 =	sadd.s32 s2, s16  }
0x8e: {  	[smem:$0x3FC5] =	sst s2  }
0x8f: {  	_ = 	snop  }
0x90: {  	(tm) =	ssettm $0x1  }
0x91: {  	s17 =	sld [smem:$0x3FFB];
	_ =	sdelay $0x3  }
0x92: {  	_ =	strace s17  }
0x93: {  	s2 =	sld [smem:$0x3FFC];
	_ =	sdelay $0x3  }
0x94: {  	_ =	strace s2  }
0x95: {  	s2 =	sld [smem:$0x3FFD];
	_ =	sdelay $0x3  }
0x96: {  	_ =	strace s2  }
0x97: {  	_ =	strace $0x8FFFFFFF  }
0x98: {  	s18 =	sld [smem:$0x3FDB];
	_ =	sdelay $0x1  }
0x99: {  	s19 =	simm.s32 $_scs_section_size  }
0x9a: {  	s4 =	simm.s32 $_size__tile_overlayer_lowered;
	s5 =	simm.s32 $_tile_overlayer_lowered  }
0x9b: {  	s22 =	simm.s32 $0x1BFF;
	s21 =	sshll.u32 s5, $0x1;
	s2 =	sadd.s32 s19, s18  }
0x9c: {  	s6 =	simm.s32 $0x0;
	s20 =	sshll.u32 s4, $0x1;
	s4 =	sadd.s32 s21, s2  }
0x9d: {  	[timem:s6], [sflag:s22] =	dma.local [hbm:s4], s20  }
0x9e: {  	_ =	swait.ge [sflag:s22], s20  }
0x9f: {  	s3 =	ssub.s32 $0x0, s20;
	[sflag:s22] =	ssyncset.done $0x0  }
0xa0: {  	[sflag:s22] =	ssyncadd.s32 s3;
	_ =	sdelay $0x1  }
0xa1: {  	s23 =	simm.s32 $0x1B8B  }
0xa2: {  	_ =	swait.ge [sflag:s23], $0x1  }
0xa3: {  	[sflag:s23] =	ssyncset.done $0x0  }
0xa4: {  	s25 =	simm.s32 $0x1B8E;
	s24 =	sld [smem:$0x3FFE];
	[sflag:s23] =	ssyncadd.s32 $0xFFFFFFFF  }
0xa5: {  	s26 =	simm.s32 $execute0_lowered;
	[smem:$0x3FD2] =	sst s25  }
0xa6: {  	s4 =	sshll.u32 s26, $0x1;
	_ =	strace $0x8000004C;
	[dreg:$0x1] =	wrdreg $0xFFFFFFFF  }
0xa7: {  	s28 =	simm.s32 $_size_execute0_lowered;
	s2 =	sadd.s32 s2, s4;
	[dreg:$0x0] =	wrdreg $0x0  }
0xa8: {  	s4 =	sshll.u32 s28, $0x1;
	[dreg:$0x2] =	wrdreg s2  }
0xa9: {  	[dreg:$0x3] =	wrdreg s4  }
0xaa: {  	[dreg:$0x4] =	wrdreg $0xC0  }
0xab: {  	_ =	task [dreg:s6], $0x5FFFF  }
0xac: {  	[dreg:$0x1] =	wrdreg $0xFFFFFFFF  }
0xad: {  	[dreg:$0x0] =	wrdreg $0x60  }
0xae: {  	[dreg:$0x2] =	wrdreg s24  }
0xaf: {  	[dreg:$0x3] =	wrdreg $0xA  }
0xb0: {  	_ =	task.clear_ibuf [dreg:s6], $0x4FFFF;
	_ =	strace $0x9000004C  }
0xb1: {  	s29 =	simm.s32 $0xA;
	_ =	strace $0x8000004E  }
0xb2: {  	_ =	swait.ge [sflag:s29], $0x1  }
0xb3: {  	[sflag:s29] =	ssyncadd.s32 $0xFFFFFFFF  }
0xb4: {  	_ =	strace $0x9000004E  }
0xb5: {  	_ =	sfence  }
0xb6: {  	s30 =	sld [smem:$0x0];
	_ =	sdelay $0x2  }
0xb7: {  	s31 =	sshll.u32 s1, $0xD;
	s1 =	sshrl.u32 s1, $0x2  }
0xb8: {  	s3 =	sand.u32 $0x4000, s31;
	s1 =	sadd.s32 s1, s30  }
0xb9: {  	s0 =	sor.u32 s3, s0;
	s1 =	sshll.u32 s1, $0x11  }
0xba: {  	s0 =	sor.u32 s1, s0  }
0xbb: {  	s0 =	sadd.s32 $0x8F2B, s0  }
0xbc: {  	[sflag:s0] =	ssyncadd.remote.s32 $0x1  }
0xbd: {  	_ =	sfence.sel $0xFFFF  }
0xbe: {  	[dreg:$0x0] =	wrdreg $0xFFFFFFFF;
	(pc) =	sbr.abs _section_cstart, $3  }
0xbf: {  	[dreg:$0x1] =	wrdreg $0xFFFFFFFF  }
0xc0: {  	_ =	task.clear_ibuf [dreg:s6], $0x2FFFF;
	_ =	strace $0x9FFFFFFF  }
0xc1: {  	(tm) =	ssettm $0x7FFFFFFF  }
tec
execute0_lowered:
.L_overlay_start_1:
0x0: {  	(tag) =	ssettag $0x1  }
0x1: {  	s6 =	rddreg [dreg:$0x0];
	s2 =	srdreg.scid  }
0x2: {  	s0 =	rddreg [dreg:$0x1];
	s1 =	stileid.u32  }
0x3: {  	s13 =	simm.s32 $0x14900;
	s14 =	simm.s32 $0x14100;
	s15 =	simm.s32 $0x15100  }
0x4: {  	s17 =	simm.s32 $0x2;
	s18 =	simm.s32 $0x3;
	s19 =	simm.s32 $0x4  }
0x5: {  	s20 =	simm.s32 $0x5;
	s21 =	simm.s32 $0x0;
	s7 =	sand.u32 $0x1, s2  }
0x6: {  	s4 =	sshrl.u32 s1, $0x2;
	s5 =	sand.u32 $0x1, s1;
	s2 =	simm.s32 $0x0  }
0x7: {  	s29 =	sshll.u32 s1, $0x1E;
	s3 =	sshll.u32 s7, $0x2;
	s8 =	smul.u32 $0x138800, s5  }
0x8: {  	[smem:$0x7FF] =	sst s2;
	s3 =	sor.u32 s4, s3;
	s4 =	smul.u32 $0x271000, s5  }
0x9: {  	s11 =	sshra.s32 s29, $0x1F;
	_ =	strace $0x8000004D;
	s9 =	smul.u32 $0x27100, s3  }
0xa: {  	s7 =	ssub.s32 $0x2, s7;
	s5 =	sadd.s32 $0x4E5C00, s6;
	s10 =	smul.u32 $0x4E2000, s3  }
0xb: {  	s16 =	sand.u32 $0x13880, s11;
	s31 =	sshrl.u32 s7, $0x1;
	s3 =	sadd.s32 $0x3C00, s6  }
0xc: {  	s11 =	ssub.s32 s7, s31;
	s8 =	sadd.s32 s8, s9;
	s30 =	sadd.s32 s4, s10  }
0xd: {  	s11 =	smax.u32 s11, $0x1;
	s8 =	sadd.s32 s16, s8;
	s9 =	sshrl.u32 s30, $0x3  }
0xe: {  	v0 =	vmov s16;
	s16 =	simm.s32 $0x1;
	s8 =	sshrl.u32 s8, $0x3;
	s7 =	sadd.s32 s5, s9  }
0xf: {  	v2 =	vlaneseq.u32;
	s12 =	sadd.s32 s8, s6;
	s6 =	sadd.s32 s3, s9;
	s8 =	sor.u32 $0x800, s10  }
0x10: {  	v1 =	vimm.f32 $0.0e+00;
	v0 =	vsub.s32 v2, v0;
	v2 =	vor.u32 $0x13880, v2;
	s9 =	sor.u32 $0x1000, s10;
	s10 =	sadd.s32 $0x9C7C00, s12;
	s12 =	simm.s32 $0x13900  }
.LBB2_1:
0x11: {  	s22 =	simm.s32 $0x40;
	s23 =	simm.s32 $0x0  }
.LBB2_2:
0x12: {  	p0 =	sne.s32 s22, $0x4E200;
	[tilespmem:s23+$0x0] =	vst v1;
	s23 =	smov.u32 s22;
	s22 =	sadd.s32 $0x40, s22  }
.Ltmp0:
0x13: {  	(pc) =	sbr.rel @p0 .LBB2_2-.Ltmp0, $2  }
0x14: {  	_ =	sdelay $0x2  }
0x15: {  	s23 =	sshra.s32 s23, $0x2  }
0x16: {  	[tilespmem:s23+$0x0] =	vst v1;
	s22 =	simm.s32 $0x0  }
0x17: {  	[tilespmem:s12], [sflag:$0x1] =	stream.linear.gather [hbm4b:s6+s22], $0x800, $0x38;
	[tilespmem:$0x15900] =	vst v63  }
0x18: {  	s23 =	simm.s32 $0x0  }
0x19: {  	[tilespmem:s13], [sflag:$0x2] =	stream.linear.gather [hbm4b:s7+s22], $0x800, $0x38;
	[tilespmem:$0x15900] =	vst v63  }
.LBB2_4:
0x1a: {  	s24 =	sshll.u32 s23, $0xC  }
0x1b: {  	s24 =	sadd.s32 s4, s24  }
0x1c: {  	s25 =	sadd.s32 s24, s8  }
0x1d: {  	s25 =	sshrl.u32 s25, $0x3  }
0x1e: {  	s26 =	sadd.s32 s3, s25  }
0x1f: {  	[tilespmem:s14], [sflag:$0x3] =	stream.linear.gather [hbm4b:s26+s22], $0x800, $0x38;
	[tilespmem:$0x15900] =	vst v63  }
0x20: {  	s25 =	sadd.s32 s5, s25  }
0x21: {  	[tilespmem:s15], [sflag:$0x4] =	stream.linear.gather [hbm4b:s25+s22], $0x800, $0x38;
	[tilespmem:$0x15900] =	vst v63  }
0x22: {  	_ =	swait.ge [sflag:s16], $0x800  }
0x23: {  	[sflag:s16] =	ssyncset.done $0x0  }
0x24: {  	[sflag:s16] =	ssyncadd.s32 $0xFFFFF800  }
0x25: {  	_ =	swait.ge [sflag:s17], $0x800  }
0x26: {  	[sflag:s17] =	ssyncset.done $0x0  }
0x27: {  	[sflag:s17] =	ssyncadd.s32 $0xFFFFF800  }
0x28: {  	v3 =	vld [tilespmem:$0x14900]  }
0x29: {  	v4 =	vld [tilespmem:$0x14910];
	_ =	sdelay $0x3  }
0x2a: {  	v5 =	vld [tilespmem:$0x13900];
	v3 =	vshll.u32 v3, $0x4  }
0x2b: {  	s31 =	simm.s32 $0x0;
	v7 =	vld [tilespmem:$0x13910];
	v4 =	vshll.u32 v4, $0x4;
	v3 =	vadd.s32 v0, v3  }
0x2c: {  	v8 =	vld [tilespmem:s31+$0x14920];
	v6 =	vmin.u32 v3, v2;
	v3 =	vadd.s32 v0, v4  }
0x2d: {  	v10 =	vld [tilespmem:s31+$0x14930];
	v9 =	vmin.u32 v3, v2;
	_ =	sdelay $0x1  }
0x2e: {  	v4 =	vld [tilespmem:s31+$0x13920]  }
0x2f: {  	v3 =	vld [tilespmem:s31+$0x13930]  }
0x30: {  	v8 =	vshll.u32 v8, $0x4;
	[tilespmem:v6+s2+$0x0] =	vst.idx.add.f32.msk $0xffff, v5  }
0x31: {  	s26 =	simm.s32 $0x100;
	s25 =	simm.s32 $0x20;
	v5 =	vadd.s32 v0, v8;
	v6 =	vshll.u32 v10, $0x4;
	[tilespmem:v9+s2+$0x0] =	vst.idx.add.f32.msk $0xffff, v7  }
.LBB2_5:
0x32: {  	p0 =	sne.s32 s26, $0x1F00;
	v7 =	vld [tilespmem:s25+$0x14920];
	v5 =	vmin.u32 v5, v2;
	v11 =	vadd.s32 v0, v6  }
0x33: {  	v8 =	vld [tilespmem:s25+$0x14930];
	v9 =	vmin.u32 v11, v2;
	v6 =	vmov v4  }
.Ltmp1:
0x34: {  	v10 =	vmov v3;
	(pc) =	sbr.rel @p0 .LBB2_5-.Ltmp1, $4  }
0x35: {  	v4 =	vld [tilespmem:s25+$0x13920]  }
0x36: {  	v3 =	vld [tilespmem:s25+$0x13930]  }
0x37: {  	v7 =	vshll.u32 v7, $0x4;
	[tilespmem:v5+s2+$0x0] =	vst.idx.add.f32.msk $0xffff, v6  }
0x38: {  	s25 =	sshra.s32 s26, $0x2;
	s26 =	sadd.s32 $0x80, s26;
	v5 =	vadd.s32 v0, v7;
	v6 =	vshll.u32 v8, $0x4;
	[tilespmem:v9+s2+$0x0] =	vst.idx.add.f32.msk $0xffff, v10  }
0x39: {  	v7 =	vld [tilespmem:s25+$0x14920]  }
0x3a: {  	v8 =	vld [tilespmem:s25+$0x14930];
	_ =	sdelay $0x3  }
0x3b: {  	v5 =	vmin.u32 v5, v2;
	v6 =	vadd.s32 v0, v6;
	v7 =	vshll.u32 v7, $0x4  }
0x3c: {  	v6 =	vmin.u32 v6, v2;
	v8 =	vshll.u32 v8, $0x4;
	v7 =	vadd.s32 v0, v7  }
0x3d: {  	v9 =	vld [tilespmem:s25+$0x13920];
	v8 =	vadd.s32 v0, v8;
	v7 =	vmin.u32 v7, v2  }
0x3e: {  	v10 =	vld [tilespmem:s25+$0x13930];
	v8 =	vmin.u32 v8, v2;
	_ =	sdelay $0x1  }
0x3f: {  	p0 =	seq.s32 s23, $0x270;
	[tilespmem:v5+s2+$0x0] =	vst.idx.add.f32.msk $0xffff, v4  }
0x40: {  	s24 =	sadd.s32 @!p0 s24, s9;
	[tilespmem:v6+s2+$0x0] =	vst.idx.add.f32.msk $0xffff, v3  }
0x41: {  	s24 =	sshrl.u32 @!p0 s24, $0x3;
	[tilespmem:v7+s2+$0x0] =	vst.idx.add.f32.msk $0xffff, v9  }
0x42: {  	s26 =	simm.s32 @!p0 $0x0;
	s28 =	simm.s32 @!p0 $0x13900;
	s25 =	sadd.s32 @!p0 s3, s24;
	[tilespmem:v8+s2+$0x0] =	vst.idx.add.f32.msk $0xffff, v10  }
0x43: {  	[tilespmem:s28], [sflag:$0x1] =	stream.linear.gather @!p0 [hbm4b:s25+s26], $0x800, $0x38;
	[tilespmem:$0x15900] =	vst v63  }
0x44: {  	s24 =	sadd.s32 @!p0 s5, s24;
	s25 =	simm.s32 @!p0 $0x14900  }
0x45: {  	[tilespmem:s25], [sflag:$0x2] =	stream.linear.gather @!p0 [hbm4b:s24+s26], $0x800, $0x38;
	[tilespmem:$0x15900] =	vst v63  }
0x46: {  	_ =	swait.ge [sflag:s18], $0x800  }
0x47: {  	[sflag:s18] =	ssyncset.done $0x0  }
0x48: {  	[sflag:s18] =	ssyncadd.s32 $0xFFFFF800  }
0x49: {  	_ =	swait.ge [sflag:s19], $0x800  }
0x4a: {  	[sflag:s19] =	ssyncset.done $0x0  }
0x4b: {  	[sflag:s19] =	ssyncadd.s32 $0xFFFFF800  }
0x4c: {  	v3 =	vld [tilespmem:$0x15100]  }
0x4d: {  	v4 =	vld [tilespmem:$0x15110];
	_ =	sdelay $0x3  }
0x4e: {  	v5 =	vld [tilespmem:$0x14100];
	v3 =	vshll.u32 v3, $0x4  }
0x4f: {  	s31 =	simm.s32 $0x0;
	v7 =	vld [tilespmem:$0x14110];
	v4 =	vshll.u32 v4, $0x4;
	v3 =	vadd.s32 v0, v3  }
0x50: {  	v8 =	vld [tilespmem:s31+$0x15120];
	v6 =	vmin.u32 v3, v2;
	v3 =	vadd.s32 v0, v4  }
0x51: {  	v63 =	vld [tilespmem:s31+$0x15130];
	v62 =	vmin.u32 v3, v2;
	_ =	sdelay $0x1  }
0x52: {  	v3 =	vld [tilespmem:s31+$0x14120]  }
0x53: {  	v4 =	vld [tilespmem:s31+$0x14130]  }
0x54: {  	v8 =	vshll.u32 v8, $0x4;
	[tilespmem:v6+s2+$0x0] =	vst.idx.add.f32.msk $0xffff, v5  }
0x55: {  	s24 =	simm.s32 $0x20;
	s25 =	simm.s32 $0x100;
	v5 =	vadd.s32 v0, v8;
	v6 =	vshll.u32 v63, $0x4;
	[tilespmem:v62+s2+$0x0] =	vst.idx.add.f32.msk $0xffff, v7  }
.LBB2_7:
0x56: {  	p0 =	sne.s32 s25, $0x1F00;
	v7 =	vld [tilespmem:s24+$0x15120];
	v5 =	vmin.u32 v5, v2;
	v11 =	vadd.s32 v0, v6  }
0x57: {  	v8 =	vld [tilespmem:s24+$0x15130];
	v9 =	vmin.u32 v11, v2;
	v6 =	vmov v3  }
.Ltmp2:
0x58: {  	v10 =	vmov v4;
	(pc) =	sbr.rel @p0 .LBB2_7-.Ltmp2, $4  }
0x59: {  	v3 =	vld [tilespmem:s24+$0x14120]  }
0x5a: {  	v4 =	vld [tilespmem:s24+$0x14130]  }
0x5b: {  	v7 =	vshll.u32 v7, $0x4;
	[tilespmem:v5+s2+$0x0] =	vst.idx.add.f32.msk $0xffff, v6  }
0x5c: {  	s24 =	sshra.s32 s25, $0x2;
	s25 =	sadd.s32 $0x80, s25;
	v5 =	vadd.s32 v0, v7;
	v6 =	vshll.u32 v8, $0x4;
	[tilespmem:v9+s2+$0x0] =	vst.idx.add.f32.msk $0xffff, v10  }
0x5d: {  	v7 =	vld [tilespmem:s24+$0x15120]  }
0x5e: {  	v8 =	vld [tilespmem:s24+$0x15130];
	_ =	sdelay $0x3  }
0x5f: {  	v5 =	vmin.u32 v5, v2;
	v6 =	vadd.s32 v0, v6;
	v7 =	vshll.u32 v7, $0x4  }
0x60: {  	v6 =	vmin.u32 v6, v2;
	v8 =	vshll.u32 v8, $0x4;
	v7 =	vadd.s32 v0, v7  }
0x61: {  	v9 =	vld [tilespmem:s24+$0x14120];
	s23 =	sadd.s32 $0x1, s23;
	v8 =	vadd.s32 v0, v8;
	v7 =	vmin.u32 v7, v2  }
0x62: {  	v10 =	vld [tilespmem:s24+$0x14130];
	p0 =	sne.s32 s23, $0x271;
	v8 =	vmin.u32 v8, v2  }
.Ltmp3:
0x63: {  	_ = 	snop;
	(pc) =	sbr.rel @p0 .LBB2_4-.Ltmp3, $4  }
0x64: {  	[tilespmem:v5+s2+$0x0] =	vst.idx.add.f32.msk $0xffff, v3  }
0x65: {  	[tilespmem:v6+s2+$0x0] =	vst.idx.add.f32.msk $0xffff, v4  }
0x66: {  	[tilespmem:v7+s2+$0x0] =	vst.idx.add.f32.msk $0xffff, v9  }
0x67: {  	[tilespmem:v8+s2+$0x0] =	vst.idx.add.f32.msk $0xffff, v10  }
0x68: {  	s21 =	sadd.s32 $0x1, s21  }
0x69: {  	p0 =	sne.s32 s21, s11  }
.Ltmp4:
0x6a: {  	_ = 	snop;
	(pc) =	sbr.rel @p0 .LBB2_1-.Ltmp4, $4  }
0x6b: {  	[hbm4b:s10+s2] =	stream.linear.scatter [tilespmem:s2], [sflag:$0x5], $0x13880, $0x38;
	[tilespmem:$0x15900] =	vst v63  }
0x6c: {  	_ =	swait.ge [sflag:s20], $0x13880  }
0x6d: {  	[sflag:s20] =	ssyncset.done $0x0  }
0x6e: {  	[sflag:s20] =	ssyncadd.s32 $0xFFFEC780  }
0x6f: {  	_ =	sfence.sel $0x180000  }
0x70: {  	[bflag:$0x0] =	sbarrier.arrive $0xFFFF  }
0x71: {  	p0 =	sne.s32 s1, $0x0;
	_ =	strace $0x9000004D  }
0x72: {  	s0 =	sadd.s32 @!p0 $0x100000, s0;
	[bflag:$0x2] =	sbarrier.arrive $0xFFFF  }
0x73: {  	[sflag:s0] =	ssyncadd.tile.s32 @!p0 $0x1;
	_ =	shalt  }
.Lfunc_end2:
_tile_overlayer_lowered:
.L_overlay_start_2:
0x74: {  	(tag) =	ssettag $0x2  }
0x75: {  	s0 =	rddreg [dreg:$0x0];
	s2 =	stileid.u32  }
0x76: {  	s1 =	rddreg [dreg:$0x1];
	p0 =	sne.s32 s2, $0x0  }
0x77: {  	s3 =	rddreg [dreg:$0x2];
	[bflag:$0x3] =	sbarrier.arrive $0xFFFF;
	s2 =	simm.s32 @!p0 $0x1C05  }
0x78: {  	[timem:s3], [sflag:s2] =	dma.local @!p0 [hbm:s0], s1  }
0x79: {  	s0 =	simm.s32 @!p0 $0x5  }
0x7a: {  	_ =	swait.ge @!p0 [sflag:s0], s1  }
0x7b: {  	s1 =	ssub.s32 @!p0 $0x0, s1;
	[sflag:s0] =	ssyncset.done @!p0 $0x0  }
0x7c: {  	[sflag:s0] =	ssyncadd.s32 @!p0 s1  }
0x7d: {  	[bflag:$0x3] =	sbarrier.arrive $0xFFFF  }
0x7e: {  	_ =	shalt  }

// kernel: sparse-core-data-format-call.1.cloned.1.call-start
scs
called_computation.1_lowered:
.L_overlay_start_0:
0x0: {  	s1 =	sld [smem:$0x3FD9]  }
0x1: {  	s2 =	sld [smem:$0x3FFE];
	_ =	sdelay $0x1  }
0x2: {  	s3 =	srdreg.scid  }
0x3: {  	s0 =	sand.u32 $0x1, s3  }
0x4: {  	s17 =	sshll.u32 s0, $0xA;
	s1 =	sadd.s32 s2, s1  }
0x5: {  	s1 =	sadd.s32 s1, s17  }
0x6: {  	[smem:$0x3FC5] =	sst s1  }
0x7: {  	_ = 	snop  }
0x8: {  	(tm) =	ssettm $0x1  }
0x9: {  	s18 =	sld [smem:$0x3FFB];
	_ =	sdelay $0x3  }
0xa: {  	_ =	strace s18  }
0xb: {  	s1 =	sld [smem:$0x3FFC];
	_ =	sdelay $0x3  }
0xc: {  	_ =	strace s1  }
0xd: {  	s1 =	sld [smem:$0x3FFD];
	_ =	sdelay $0x3  }
0xe: {  	_ =	strace s1  }
0xf: {  	_ =	strace $0x8FFFFFFF  }
0x10: {  	s19 =	sld [smem:$0x3FDB];
	_ =	sdelay $0x1  }
0x11: {  	s20 =	simm.s32 $_scs_section_size  }
0x12: {  	s4 =	simm.s32 $_size__tile_overlayer_lowered;
	s5 =	simm.s32 $_tile_overlayer_lowered  }
0x13: {  	s23 =	simm.s32 $0x1BFF;
	s22 =	sshll.u32 s5, $0x1;
	s1 =	sadd.s32 s20, s19  }
0x14: {  	s6 =	simm.s32 $0x0;
	s21 =	sshll.u32 s4, $0x1;
	s4 =	sadd.s32 s22, s1  }
0x15: {  	[timem:s6], [sflag:s23] =	dma.local [hbm:s4], s21  }
0x16: {  	_ =	swait.ge [sflag:s23], s21  }
0x17: {  	s2 =	ssub.s32 $0x0, s21;
	[sflag:s23] =	ssyncset.done $0x0  }
0x18: {  	[sflag:s23] =	ssyncadd.s32 s2;
	_ =	sdelay $0x1  }
0x19: {  	s24 =	simm.s32 $0x1B8B  }
0x1a: {  	_ =	swait.ge [sflag:s24], $0x1  }
0x1b: {  	[sflag:s24] =	ssyncset.done $0x0  }
0x1c: {  	s26 =	simm.s32 $0x1B8E;
	s25 =	sld [smem:$0x3FFE];
	[sflag:s24] =	ssyncadd.s32 $0xFFFFFFFF  }
0x1d: {  	s27 =	simm.s32 $execute0_lowered;
	[smem:$0x3FD2] =	sst s26  }
0x1e: {  	s4 =	sshll.u32 s27, $0x1;
	_ =	strace $0x80000046;
	[dreg:$0x1] =	wrdreg $0xFFFFFFFF  }
0x1f: {  	s28 =	simm.s32 $_size_execute0_lowered;
	s1 =	sadd.s32 s1, s4;
	[dreg:$0x0] =	wrdreg $0x0  }
0x20: {  	s4 =	sshll.u32 s28, $0x1;
	[dreg:$0x2] =	wrdreg s1  }
0x21: {  	[dreg:$0x3] =	wrdreg s4  }
0x22: {  	[dreg:$0x4] =	wrdreg $0xC0  }
0x23: {  	_ =	task [dreg:s6], $0x5FFFF  }
0x24: {  	[dreg:$0x1] =	wrdreg $0xFFFFFFFF  }
0x25: {  	[dreg:$0x0] =	wrdreg $0x60  }
0x26: {  	[dreg:$0x2] =	wrdreg s25  }
0x27: {  	[dreg:$0x3] =	wrdreg $0xA  }
0x28: {  	_ =	task.clear_ibuf [dreg:s6], $0x4FFFF;
	_ =	strace $0x90000046  }
0x29: {  	s29 =	simm.s32 $0xA;
	_ =	strace $0x80000048  }
0x2a: {  	_ =	swait.ge [sflag:s29], $0x1  }
0x2b: {  	[sflag:s29] =	ssyncadd.s32 $0xFFFFFFFF  }
0x2c: {  	_ =	strace $0x90000048  }
0x2d: {  	_ =	sfence  }
0x2e: {  	s30 =	sld [smem:$0x0];
	_ =	sdelay $0x2  }
0x2f: {  	s31 =	sshll.u32 s3, $0xD;
	s3 =	sshrl.u32 s3, $0x2  }
0x30: {  	s2 =	sand.u32 $0x4000, s31;
	s1 =	sadd.s32 s3, s30  }
0x31: {  	s0 =	sor.u32 s2, s0;
	s1 =	sshll.u32 s1, $0x11  }
0x32: {  	s0 =	sor.u32 s1, s0  }
0x33: {  	s0 =	sadd.s32 $0x8F2B, s0  }
0x34: {  	[sflag:s0] =	ssyncadd.remote.s32 $0x1  }
0x35: {  	_ =	sfence.sel $0xFFFF  }
0x36: {  	[dreg:$0x0] =	wrdreg $0xFFFFFFFF;
	(pc) =	sbr.abs _section_cstart, $3  }
0x37: {  	[dreg:$0x1] =	wrdreg $0xFFFFFFFF  }
0x38: {  	_ =	task.clear_ibuf [dreg:s6], $0x2FFFF;
	_ =	strace $0x9FFFFFFF  }
0x39: {  	(tm) =	ssettm $0x7FFFFFFF  }
tec
execute0_lowered:
.L_overlay_start_1:
0x0: {  	(tag) =	ssettag $0x1  }
0x1: {  	s0 =	srdreg.scid;
	s3 =	rddreg [dreg:$0x0]  }
0x2: {  	s5 =	simm.s32 $0x1;
	s6 =	simm.s32 $0x2;
	s1 =	sshll.u32 s0, $0x4  }
0x3: {  	s12 =	simm.s32 $0x0;
	s0 =	stileid.u32;
	s1 =	sand.u32 $0x10, s1  }
0x4: {  	p0 =	por $0x0, $0x0;
	s9 =	simm.s32 $0x4E400;
	s1 =	sor.u32 s0, s1  }
0x5: {  	s13 =	simm.s32 $0x0;
	s31 =	sshll.u32 s0, $0x7;
	s2 =	sshrl.u32 s1, $0x2  }
.Ltmp0:
0x6: {  	s1 =	rddreg [dreg:$0x1];
	s4 =	sshll.u32 s2, $0x4;
	(pc) =	sbr.rel .LBB1_1-.Ltmp0, $4  }
0x7: {  	_ =	strace $0x80000047;
	s7 =	sadd.s32 s4, s3;
	s4 =	sand.u32 $0x180, s31  }
0x8: {  	s11 =	simm.s32 $0x0;
	[sflag:s5] =	ssyncpa.u1 $0x0;
	s8 =	ssub.s32 $0x9C00, s4  }
0x9: {  	s3 =	sadd.s32 $0x2713C00, s3;
	[sflag:s6] =	ssyncpa.u1 $0x0;
	s6 =	sshrl.u32 s8, $0x9  }
0xa: {  	s7 =	sadd.s32 $0x3C00, s7;
	s10 =	smov.u32 s4;
	s8 =	sadd.s32 $0x2, s6  }
.LBB1_7:
0xb: {  	s14 =	sadd.s32 $0x200, s10  }
0xc: {  	p2 =	sgt.s32 s14, $0x9C3F  }
0xd: {  	s14 =	smov.u32 @p2 s4;
	p2 =	sne.s32 s11, s8  }
.Ltmp1:
0xe: {  	p1 =	slt.u32 s11, $0x2;
	(pc) =	sbr.rel @!p2 .LBB1_8-.Ltmp1, $4  }
0xf: {  	s12 =	simm.s32 @!p1 $0x2  }
0x10: {  	s15 =	sadd.s32 $0x1, s11;
	s13 =	smov.u32 s10;
	_ =	swait.ge @!p1 [sflag:s12], $0x4000  }
0x11: {  	p0 =	por !p0, !p0;
	s11 =	smov.u32 s15;
	[sflag:s12] =	ssyncset.done @!p1 $0x0  }
0x12: {  	s10 =	smov.u32 s14;
	[sflag:s12] =	ssyncadd.s32 @!p1 $0xFFFFC000;
	s12 =	smov.u32 s2  }
.LBB1_1:
0x13: {  	p1 =	sgt.u32 s11, s6  }
0x14: {  	p2 =	sgt.s32 @!p1 s10, $0x9BC0  }
0x15: {  	s14 =	smov.u32 s10;
	s15 =	sshra.s32 @!p1 s10, $0x1F;
	p2 =	por !p2, p1  }
0x16: {  	s15 =	sand.u32 @!p1 s15, s10;
	s14 =	simm.s32 @p2 $0x9BC0  }
0x17: {  	s14 =	ssub.s32 @!p1 s14, s15  }
0x18: {  	s16 =	sxor.u32 @!p1 $0xFFFFFFFF, s11;
	s14 =	sadd.s32 @!p1 $0xFFFF6440, s14  }
0x19: {  	s17 =	simm.s32 @!p1 $0x10;
	s18 =	simm.s32 @!p1 $0x400;
	s15 =	sshll.u32 @!p1 s14, $0x7  }
0x1a: {  	p2 =	sgt.s32 @!p1 s14, $0x7F;
	s14 =	ssub.s32 @!p1 $0x4000, s15;
	s15 =	sshll.u32 @!p1 s16, $0xE  }
0x1b: {  	p2 =	por !p2, p1;
	s16 =	sshll.u32 @!p1 s10, $0xA;
	s14 =	sand.u32 @!p1 $0x3FFFFF80, s14  }
0x1c: {  	s15 =	sand.u32 @!p1 $0x4000, s15;
	s16 =	sadd.s32 @!p1 s16, s7;
	s14 =	simm.s32 @!p2 $0x0  }
0x1d: {  	[tilespmem:s15], [sflag:$0x1] =	stream.strided.gather @!p1 [hbm4b:s16+s17], s14, s18, s17, $0x38;
	[tilespmem:$0x10100] =	vst v63  }
0x1e: {  	p1 =	seq.s32 s11, $0x0  }
0x1f: {  	p2 =	sge.u32 @!p1 s11, s8  }
0x20: {  	p1 =	por p1, p2  }
.Ltmp2:
0x21: {  	_ = 	snop;
	(pc) =	sbr.rel @p1 .LBB1_7-.Ltmp2, $1  }
0x22: {  	_ =	sdelay $0x3  }
0x23: {  	p1 =	sgt.s32 s13, $0x9BC0;
	s14 =	smov.u32 s13;
	s15 =	sshra.s32 s13, $0x1F  }
0x24: {  	s14 =	simm.s32 @!p1 $0x9BC0;
	s15 =	sand.u32 s15, s13  }
0x25: {  	s14 =	ssub.s32 s14, s15  }
0x26: {  	s14 =	sadd.s32 $0xFFFF6440, s14  }
0x27: {  	s16 =	simm.s32 $0x1;
	s18 =	sand.u32 $0x1, s11;
	s29 =	sshll.u32 s14, $0x7  }
0x28: {  	s16 =	simm.s32 @!p0 $0x0;
	s31 =	smul.u32 $0x10200, s18;
	s15 =	ssub.s32 $0x4000, s29  }
0x29: {  	s17 =	smul.u32 $0x10200, s16;
	p1 =	sgt.s32 s14, $0x7F;
	s14 =	sand.u32 $0x3FFFFF80, s15  }
0x2a: {  	s16 =	sshll.u32 s16, $0xE;
	s14 =	simm.s32 @p1 $0x0  }
0x2b: {  	s30 =	sshrl.u32 s17, $0x2;
	s17 =	sshrl.u32 s31, $0x2;
	_ =	swait.ge [sflag:s5], s14  }
0x2c: {  	s15 =	sor.u32 $0x8000, s30;
	s14 =	ssub.s32 $0x0, s14;
	[sflag:s5] =	ssyncset.done $0x0  }
0x2d: {  	[sflag:s5] =	ssyncadd.s32 s14;
	s14 =	sor.u32 $0x8000, s17;
	s17 =	simm.s32 $0x0  }
.LBB1_3:
0x2e: {  	v0 =	vmov s16;
	_ =	sdelay $0x3  }
0x2f: {  	s18 =	simm.s32 $0x0  }
0x30: {  	v1 =	vld.idx.msk [tilespmem:v0+s18+$0x0 ss:$0x1], $0xffff;
	_ =	sdelay $0x2  }
0x31: {  	s19 =	simm.s32 $0x40;
	s18 =	smov.u32 s15  }
.LBB1_4:
0x32: {  	s20 =	sshra.s32 s19, $0x2;
	p1 =	sne.s32 s19, $0x1C0;
	s19 =	sadd.s32 $0x40, s19  }
.Ltmp3:
0x33: {  	[tilespmem:s18+$0x0 ss:$0x81] =	vst.msk $0xffff, v1;
	v1 =	vld.idx.msk [tilespmem:v0+s20+$0x0 ss:$0x1], $0xffff;
	(pc) =	sbr.rel @p1 .LBB1_4-.Ltmp3, $2  }
0x34: {  	_ =	sdelay $0x2  }
0x35: {  	s18 =	sadd.s32 $0x810, s18  }
0x36: {  	s17 =	sadd.s32 $0x1, s17  }
0x37: {  	p1 =	sne.s32 s17, $0x80  }
.Ltmp4:
0x38: {  	_ = 	snop;
	(pc) =	sbr.rel @p1 .LBB1_3-.Ltmp4, $2  }
0x39: {  	_ =	sdelay $0x2  }
0x3a: {  	[tilespmem:s18+$0x0 ss:$0x81] =	vst.msk $0xffff, v1;
	s15 =	sadd.s32 $0x1, s15;
	s16 =	sadd.s32 $0x80, s16  }
0x3b: {  	s15 =	sshll.u32 s13, $0x3  }
0x3c: {  	s15 =	sand.u32 $0xFFFFFC00, s15  }
0x3d: {  	s16 =	sshrl.u32 s15, $0x7  }
0x3e: {  	s16 =	smulhi.u32 $0x1A2C2A9, s16;
	_ =	sdelay $0x1  }
0x3f: {  	s12 =	smul.u32 $0x9C800, s12;
	s16 =	sshrl.u32 s16, $0x1  }
0x40: {  	s27 =	sand.u32 $0x7F, s13;
	s17 =	smul.u32 $0x9C80, s16;
	s28 =	sand.u32 $0xF, s16  }
0x41: {  	s13 =	sor.u32 s27, s15;
	s15 =	smul.u32 $0x1390, s28  }
.Ltmp5:
0x42: {  	s13 =	ssub.s32 s13, s17;
	(pc) =	sbr.rel .LBB1_7-.Ltmp5, $4  }
0x43: {  	s12 =	sadd.s32 s3, s12;
	s29 =	sand.u32 $0x7, s13  }
0x44: {  	s13 =	sshrl.u32 s13, $0x3;
	s12 =	sadd.s32 s15, s12;
	s30 =	sshll.u32 s29, $0x12  }
0x45: {  	s12 =	sadd.s32 s13, s12;
	s31 =	sor.u32 $0x400, s30  }
0x46: {  	[hbm4b:s12+s31] =	stream.strided.scatter [tilespmem:s14], [sflag:$0x2], $0x4000, s9, s31, $0x20;
	[tilespmem:$0x10100] =	vst v63  }
.LBB1_8:
0x47: {  	_ =	sfence.sel $0x180000  }
0x48: {  	s2 =	simm.s32 $0x1;
	[bflag:$0x0] =	sbarrier.arrive $0xFFFF  }
0x49: {  	s31 =	simm.s32 $0x2;
	[sflag:s2] =	ssyncpa.u1 $0x1  }
0x4a: {  	[sflag:s31] =	ssyncpa.u1 $0x1  }
0x4b: {  	p0 =	sne.s32 s0, $0x0;
	_ =	strace $0x90000047  }
0x4c: {  	s0 =	sadd.s32 @!p0 $0x100000, s1;
	[bflag:$0x2] =	sbarrier.arrive $0xFFFF  }
0x4d: {  	[sflag:s0] =	ssyncadd.tile.s32 @!p0 $0x1;
	_ =	shalt  }
.Lfunc_end1:
_tile_overlayer_lowered:
.L_overlay_start_2:
0x4e: {  	(tag) =	ssettag $0x2  }
0x4f: {  	s0 =	rddreg [dreg:$0x0];
	s2 =	stileid.u32  }
0x50: {  	s1 =	rddreg [dreg:$0x1];
	p0 =	sne.s32 s2, $0x0  }
0x51: {  	s3 =	rddreg [dreg:$0x2];
	[bflag:$0x3] =	sbarrier.arrive $0xFFFF;
	s2 =	simm.s32 @!p0 $0x1C01  }
0x52: {  	[timem:s3], [sflag:s2] =	dma.local @!p0 [hbm:s0], s1  }
0x53: {  	s0 =	simm.s32 @!p0 $0x1  }
0x54: {  	_ =	swait.ge @!p0 [sflag:s0], s1  }
0x55: {  	s1 =	ssub.s32 @!p0 $0x0, s1;
	[sflag:s0] =	ssyncset.done @!p0 $0x0  }
0x56: {  	[sflag:s0] =	ssyncadd.s32 @!p0 s1  }
0x57: {  	[bflag:$0x3] =	sbarrier.arrive $0xFFFF  }
0x58: {  	_ =	shalt  }

// kernel: sparse-core-data-format-call.cloned.1.call-start
scs
called_computation_lowered:
.L_overlay_start_0:
0x0: {  	s2 =	sld [smem:$0x3FD9]  }
0x1: {  	s3 =	sld [smem:$0x3FFE];
	_ =	sdelay $0x1  }
0x2: {  	s1 =	srdreg.scid  }
0x3: {  	s0 =	sand.u32 $0x1, s1  }
0x4: {  	s18 =	sshll.u32 s0, $0xA;
	s2 =	sadd.s32 s3, s2  }
0x5: {  	s2 =	sadd.s32 s2, s18  }
0x6: {  	[smem:$0x3FC5] =	sst s2  }
0x7: {  	_ = 	snop  }
0x8: {  	(tm) =	ssettm $0x1  }
0x9: {  	s19 =	sld [smem:$0x3FFB];
	_ =	sdelay $0x3  }
0xa: {  	_ =	strace s19  }
0xb: {  	s2 =	sld [smem:$0x3FFC];
	_ =	sdelay $0x3  }
0xc: {  	_ =	strace s2  }
0xd: {  	s2 =	sld [smem:$0x3FFD];
	_ =	sdelay $0x3  }
0xe: {  	_ =	strace s2  }
0xf: {  	_ =	strace $0x8FFFFFFF  }
0x10: {  	s20 =	sld [smem:$0x3FDB];
	_ =	sdelay $0x1  }
0x11: {  	s21 =	simm.s32 $_scs_section_size  }
0x12: {  	s4 =	simm.s32 $_size__tile_overlayer_lowered;
	s5 =	simm.s32 $_tile_overlayer_lowered  }
0x13: {  	s6 =	simm.s32 $0x1BFF;
	s22 =	sshll.u32 s5, $0x1;
	s3 =	sadd.s32 s21, s20  }
0x14: {  	s23 =	simm.s32 $0x0;
	s4 =	sshll.u32 s4, $0x1;
	s5 =	sadd.s32 s22, s3  }
0x15: {  	[timem:s23], [sflag:s6] =	dma.local [hbm:s5], s4  }
0x16: {  	_ =	swait.ge [sflag:s6], s4  }
0x17: {  	s4 =	ssub.s32 $0x0, s4;
	[sflag:s6] =	ssyncset.done $0x0  }
0x18: {  	[sflag:s6] =	ssyncadd.s32 s4;
	_ =	sdelay $0x1  }
0x19: {  	s24 =	simm.s32 $0x1B8B  }
0x1a: {  	_ =	swait.ge [sflag:s24], $0x1  }
0x1b: {  	[sflag:s24] =	ssyncset.done $0x0  }
0x1c: {  	[sflag:s24] =	ssyncadd.s32 $0xFFFFFFFF  }
0x1d: {  	s4 =	sld [smem:$0x0]  }
0x1e: {  	s5 =	sand.u32 $0xFFFFFFFE, s1  }
0x1f: {  	p0 =	sne.s32 s1, s5  }
0x20: {  	s5 =	sshll.u32 @p0 s5, $0xE  }
0x21: {  	s5 =	sadd.s32 @p0 $0x11B8D, s5;
	s6 =	sshll.u32 @p0 s4, $0x11  }
0x22: {  	s5 =	sor.u32 @p0 s6, s5  }
0x23: {  	[sflag:s5] =	ssyncadd.remote.s32 @p0 $0x1;
	_ =	sdelay $0x1  }
0x24: {  	s5 =	simm.s32 @p0 $0x1B8D  }
0x25: {  	_ =	swait.eq @p0 [sflag:s5], $0x1  }
0x26: {  	[sflag:s5] =	ssyncadd.s32 @p0 $0xFFFFFFFF  }
0x27: {  	s6 =	sshll.u32 @!p0 s1, $0xE  }
0x28: {  	s6 =	sor.u32 @!p0 $0x4000, s6;
	s5 =	simm.s32 @!p0 $0x1B8D  }
0x29: {  	s4 =	sshll.u32 @!p0 s4, $0x11;
	s6 =	sadd.s32 @!p0 $0x11B8D, s6;
	_ =	swait.eq @!p0 [sflag:s5], $0x1  }
0x2a: {  	s4 =	sor.u32 @!p0 s4, s6;
	[sflag:s5] =	ssyncadd.s32 @!p0 $0xFFFFFFFF  }
0x2b: {  	s26 =	simm.s32 $0x1B8E;
	s25 =	sld [smem:$0x3FFE];
	[sflag:s4] =	ssyncadd.remote.s32 @!p0 $0x1  }
0x2c: {  	s27 =	simm.s32 $execute0_lowered;
	[smem:$0x3FD2] =	sst s26  }
0x2d: {  	s5 =	sshll.u32 s27, $0x1;
	_ =	strace $0x80000049;
	[dreg:$0x1] =	wrdreg $0xFFFFFFFF  }
0x2e: {  	s28 =	simm.s32 $_size_execute0_lowered;
	s3 =	sadd.s32 s3, s5;
	[dreg:$0x0] =	wrdreg $0x0  }
0x2f: {  	s5 =	sshll.u32 s28, $0x1;
	[dreg:$0x2] =	wrdreg s3  }
0x30: {  	[dreg:$0x3] =	wrdreg s5  }
0x31: {  	[dreg:$0x4] =	wrdreg $0xC0  }
0x32: {  	_ =	task [dreg:s23], $0x5FFFF  }
0x33: {  	[dreg:$0x1] =	wrdreg $0xFFFFFFFF  }
0x34: {  	[dreg:$0x0] =	wrdreg $0x60  }
0x35: {  	[dreg:$0x2] =	wrdreg s25  }
0x36: {  	[dreg:$0x3] =	wrdreg $0x9  }
0x37: {  	_ =	task.clear_ibuf [dreg:s23], $0x4FFFF;
	_ =	strace $0x90000049  }
0x38: {  	s29 =	simm.s32 $0x9;
	_ =	strace $0x8000004B  }
0x39: {  	_ =	swait.ge [sflag:s29], $0x1  }
0x3a: {  	[sflag:s29] =	ssyncadd.s32 $0xFFFFFFFF  }
0x3b: {  	_ =	strace $0x9000004B  }
0x3c: {  	_ =	sfence  }
0x3d: {  	s30 =	sld [smem:$0x0];
	_ =	sdelay $0x2  }
0x3e: {  	s31 =	sshll.u32 s1, $0xD;
	s1 =	sshrl.u32 s1, $0x2  }
0x3f: {  	s4 =	sand.u32 $0x4000, s31;
	s1 =	sadd.s32 s1, s30  }
0x40: {  	s0 =	sor.u32 s4, s0;
	s1 =	sshll.u32 s1, $0x11  }
0x41: {  	s0 =	sor.u32 s1, s0  }
0x42: {  	s0 =	sadd.s32 $0x8F2B, s0  }
0x43: {  	[sflag:s0] =	ssyncadd.remote.s32 $0x1  }
0x44: {  	_ =	sfence.sel $0xFFFF  }
0x45: {  	[dreg:$0x0] =	wrdreg $0xFFFFFFFF;
	(pc) =	sbr.abs _section_cstart, $3  }
0x46: {  	[dreg:$0x1] =	wrdreg $0xFFFFFFFF  }
0x47: {  	_ =	task.clear_ibuf [dreg:s23], $0x2FFFF;
	_ =	strace $0x9FFFFFFF  }
0x48: {  	(tm) =	ssettm $0x7FFFFFFF  }
0x49: {  	_ =	shalt  }
tec
execute0_lowered:
.L_overlay_start_1:
0x0: {  	(tag) =	ssettag $0x1  }
0x1: {  	s0 =	srdreg.scid;
	s3 =	rddreg [dreg:$0x0]  }
0x2: {  	s5 =	simm.s32 $0x1;
	s6 =	simm.s32 $0x2;
	s1 =	sshll.u32 s0, $0x4  }
0x3: {  	s12 =	simm.s32 $0x0;
	s0 =	stileid.u32;
	s1 =	sand.u32 $0x10, s1  }
0x4: {  	p0 =	por $0x0, $0x0;
	s9 =	simm.s32 $0x4E400;
	s1 =	sor.u32 s0, s1  }
0x5: {  	s13 =	simm.s32 $0x0;
	s31 =	sshll.u32 s0, $0x7;
	s2 =	sshrl.u32 s1, $0x2  }
.Ltmp0:
0x6: {  	s1 =	rddreg [dreg:$0x1];
	s4 =	sshll.u32 s2, $0x4;
	(pc) =	sbr.rel .LBB1_1-.Ltmp0, $4  }
0x7: {  	_ =	strace $0x8000004A;
	s7 =	sadd.s32 s4, s3;
	s4 =	sand.u32 $0x180, s31  }
0x8: {  	s11 =	simm.s32 $0x0;
	[sflag:s5] =	ssyncpa.u1 $0x0;
	s8 =	ssub.s32 $0x9C00, s4  }
0x9: {  	s3 =	sadd.s32 $0x5307C00, s3;
	[sflag:s6] =	ssyncpa.u1 $0x0;
	s6 =	sshrl.u32 s8, $0x9  }
0xa: {  	s7 =	sadd.s32 $0x2BF7C00, s7;
	s10 =	smov.u32 s4;
	s8 =	sadd.s32 $0x2, s6  }
.LBB1_7:
0xb: {  	s14 =	sadd.s32 $0x200, s10  }
0xc: {  	p2 =	sgt.s32 s14, $0x9C3F  }
0xd: {  	s14 =	smov.u32 @p2 s4;
	p2 =	sne.s32 s11, s8  }
.Ltmp1:
0xe: {  	p1 =	slt.u32 s11, $0x2;
	(pc) =	sbr.rel @!p2 .LBB1_8-.Ltmp1, $4  }
0xf: {  	s12 =	simm.s32 @!p1 $0x2  }
0x10: {  	s15 =	sadd.s32 $0x1, s11;
	s13 =	smov.u32 s10;
	_ =	swait.ge @!p1 [sflag:s12], $0x4000  }
0x11: {  	p0 =	por !p0, !p0;
	s11 =	smov.u32 s15;
	[sflag:s12] =	ssyncset.done @!p1 $0x0  }
0x12: {  	s10 =	smov.u32 s14;
	[sflag:s12] =	ssyncadd.s32 @!p1 $0xFFFFC000;
	s12 =	smov.u32 s2  }
.LBB1_1:
0x13: {  	p1 =	sgt.u32 s11, s6  }
0x14: {  	p2 =	sgt.s32 @!p1 s10, $0x9BC0  }
0x15: {  	s14 =	smov.u32 s10;
	s15 =	sshra.s32 @!p1 s10, $0x1F;
	p2 =	por !p2, p1  }
0x16: {  	s15 =	sand.u32 @!p1 s15, s10;
	s14 =	simm.s32 @p2 $0x9BC0  }
0x17: {  	s14 =	ssub.s32 @!p1 s14, s15  }
0x18: {  	s16 =	sxor.u32 @!p1 $0xFFFFFFFF, s11;
	s14 =	sadd.s32 @!p1 $0xFFFF6440, s14  }
0x19: {  	s17 =	simm.s32 @!p1 $0x10;
	s18 =	simm.s32 @!p1 $0x400;
	s15 =	sshll.u32 @!p1 s14, $0x7  }
0x1a: {  	p2 =	sgt.s32 @!p1 s14, $0x7F;
	s14 =	ssub.s32 @!p1 $0x4000, s15;
	s15 =	sshll.u32 @!p1 s16, $0xE  }
0x1b: {  	p2 =	por !p2, p1;
	s16 =	sshll.u32 @!p1 s10, $0xA;
	s14 =	sand.u32 @!p1 $0x3FFFFF80, s14  }
0x1c: {  	s15 =	sand.u32 @!p1 $0x4000, s15;
	s16 =	sadd.s32 @!p1 s16, s7;
	s14 =	simm.s32 @!p2 $0x0  }
0x1d: {  	[tilespmem:s15], [sflag:$0x1] =	stream.strided.gather @!p1 [hbm4b:s16+s17], s14, s18, s17, $0x38;
	[tilespmem:$0x10100] =	vst v63  }
0x1e: {  	p1 =	seq.s32 s11, $0x0  }
0x1f: {  	p2 =	sge.u32 @!p1 s11, s8  }
0x20: {  	p1 =	por p1, p2  }
.Ltmp2:
0x21: {  	_ = 	snop;
	(pc) =	sbr.rel @p1 .LBB1_7-.Ltmp2, $1  }
0x22: {  	_ =	sdelay $0x3  }
0x23: {  	p1 =	sgt.s32 s13, $0x9BC0;
	s14 =	smov.u32 s13;
	s15 =	sshra.s32 s13, $0x1F  }
0x24: {  	s14 =	simm.s32 @!p1 $0x9BC0;
	s15 =	sand.u32 s15, s13  }
0x25: {  	s14 =	ssub.s32 s14, s15  }
0x26: {  	s14 =	sadd.s32 $0xFFFF6440, s14  }
0x27: {  	s16 =	simm.s32 $0x1;
	s18 =	sand.u32 $0x1, s11;
	s29 =	sshll.u32 s14, $0x7  }
0x28: {  	s16 =	simm.s32 @!p0 $0x0;
	s31 =	smul.u32 $0x10200, s18;
	s15 =	ssub.s32 $0x4000, s29  }
0x29: {  	s17 =	smul.u32 $0x10200, s16;
	p1 =	sgt.s32 s14, $0x7F;
	s14 =	sand.u32 $0x3FFFFF80, s15  }
0x2a: {  	s16 =	sshll.u32 s16, $0xE;
	s14 =	simm.s32 @p1 $0x0  }
0x2b: {  	s30 =	sshrl.u32 s17, $0x2;
	s17 =	sshrl.u32 s31, $0x2;
	_ =	swait.ge [sflag:s5], s14  }
0x2c: {  	s15 =	sor.u32 $0x8000, s30;
	s14 =	ssub.s32 $0x0, s14;
	[sflag:s5] =	ssyncset.done $0x0  }
0x2d: {  	[sflag:s5] =	ssyncadd.s32 s14;
	s14 =	sor.u32 $0x8000, s17;
	s17 =	simm.s32 $0x0  }
.LBB1_3:
0x2e: {  	v0 =	vmov s16;
	_ =	sdelay $0x3  }
0x2f: {  	s18 =	simm.s32 $0x0  }
0x30: {  	v1 =	vld.idx.msk [tilespmem:v0+s18+$0x0 ss:$0x1], $0xffff;
	_ =	sdelay $0x2  }
0x31: {  	s19 =	simm.s32 $0x40;
	s18 =	smov.u32 s15  }
.LBB1_4:
0x32: {  	s20 =	sshra.s32 s19, $0x2;
	p1 =	sne.s32 s19, $0x1C0;
	s19 =	sadd.s32 $0x40, s19  }
.Ltmp3:
0x33: {  	[tilespmem:s18+$0x0 ss:$0x81] =	vst.msk $0xffff, v1;
	v1 =	vld.idx.msk [tilespmem:v0+s20+$0x0 ss:$0x1], $0xffff;
	(pc) =	sbr.rel @p1 .LBB1_4-.Ltmp3, $2  }
0x34: {  	_ =	sdelay $0x2  }
0x35: {  	s18 =	sadd.s32 $0x810, s18  }
0x36: {  	s17 =	sadd.s32 $0x1, s17  }
0x37: {  	p1 =	sne.s32 s17, $0x80  }
.Ltmp4:
0x38: {  	_ = 	snop;
	(pc) =	sbr.rel @p1 .LBB1_3-.Ltmp4, $2  }
0x39: {  	_ =	sdelay $0x2  }
0x3a: {  	[tilespmem:s18+$0x0 ss:$0x81] =	vst.msk $0xffff, v1;
	s15 =	sadd.s32 $0x1, s15;
	s16 =	sadd.s32 $0x80, s16  }
0x3b: {  	s15 =	sshll.u32 s13, $0x3  }
0x3c: {  	s15 =	sand.u32 $0xFFFFFC00, s15  }
0x3d: {  	s16 =	sshrl.u32 s15, $0x7  }
0x3e: {  	s16 =	smulhi.u32 $0x1A2C2A9, s16;
	_ =	sdelay $0x1  }
0x3f: {  	s12 =	smul.u32 $0x9C800, s12;
	s16 =	sshrl.u32 s16, $0x1  }
0x40: {  	s27 =	sand.u32 $0x7F, s13;
	s17 =	smul.u32 $0x9C80, s16;
	s28 =	sand.u32 $0xF, s16  }
0x41: {  	s13 =	sor.u32 s27, s15;
	s15 =	smul.u32 $0x1390, s28  }
.Ltmp5:
0x42: {  	s13 =	ssub.s32 s13, s17;
	(pc) =	sbr.rel .LBB1_7-.Ltmp5, $4  }
0x43: {  	s12 =	sadd.s32 s3, s12;
	s29 =	sand.u32 $0x7, s13  }
0x44: {  	s13 =	sshrl.u32 s13, $0x3;
	s12 =	sadd.s32 s15, s12;
	s30 =	sshll.u32 s29, $0x12  }
0x45: {  	s12 =	sadd.s32 s13, s12;
	s31 =	sor.u32 $0x400, s30  }
0x46: {  	[hbm4b:s12+s31] =	stream.strided.scatter [tilespmem:s14], [sflag:$0x2], $0x4000, s9, s31, $0x20;
	[tilespmem:$0x10100] =	vst v63  }
.LBB1_8:
0x47: {  	_ =	sfence.sel $0x180000  }
0x48: {  	s2 =	simm.s32 $0x1;
	[bflag:$0x0] =	sbarrier.arrive $0xFFFF  }
0x49: {  	s31 =	simm.s32 $0x2;
	[sflag:s2] =	ssyncpa.u1 $0x1  }
0x4a: {  	[sflag:s31] =	ssyncpa.u1 $0x1  }
0x4b: {  	p0 =	sne.s32 s0, $0x0;
	_ =	strace $0x9000004A  }
0x4c: {  	s0 =	sadd.s32 @!p0 $0x100000, s1;
	[bflag:$0x2] =	sbarrier.arrive $0xFFFF  }
0x4d: {  	[sflag:s0] =	ssyncadd.tile.s32 @!p0 $0x1;
	_ =	shalt  }
.Lfunc_end1:
_tile_overlayer_lowered:
.L_overlay_start_2:
0x4e: {  	(tag) =	ssettag $0x2  }
0x4f: {  	s0 =	rddreg [dreg:$0x0];
	s2 =	stileid.u32  }
0x50: {  	s1 =	rddreg [dreg:$0x1];
	p0 =	sne.s32 s2, $0x0  }
0x51: {  	s3 =	rddreg [dreg:$0x2];
	[bflag:$0x3] =	sbarrier.arrive $0xFFFF;
	s2 =	simm.s32 @!p0 $0x1C01  }
0x52: {  	[timem:s3], [sflag:s2] =	dma.local @!p0 [hbm:s0], s1  }
0x53: {  	s0 =	simm.s32 @!p0 $0x1  }
0x54: {  	_ =	swait.ge @!p0 [sflag:s0], s1  }
0x55: {  	s1 =	ssub.s32 @!p0 $0x0, s1;
	[sflag:s0] =	ssyncset.done @!p0 $0x0  }
0x56: {  	[sflag:s0] =	ssyncadd.s32 @!p0 s1  }
0x57: {  	[bflag:$0x3] =	sbarrier.arrive $0xFFFF  }
0x58: {  	_ =	shalt  }

</sc_bundles>
